<compile_context>
chip_gen: v7x
topology: tpu7x:2x2x1
jax: 0.10.2.dev20260603
libtpu: 0.0.44.dev20260713+nightly
codegen_flags: <defaults>
</compile_context>

<pallas_src>
import functools

import jax
import jax.numpy as jnp
from jax import lax
from jax.experimental import pallas as pl
from jax.experimental.pallas import tpu as pltpu
from jax.experimental.pallas import tpu_sc as plsc

NC = 2
NS = 16
LANES = 16
NW = NC * NS

CHUNK = 128
SEG = 8


@functools.partial(jax.jit, static_argnames=("n_pad",))
def _sc_agg(x, src2, dst2, *, n_pad):
    _, d = x.shape
    n_chunks = src2.shape[0]
    chunks_per_tile = n_chunks // NW
    rows_per_tile = n_pad // NS
    n_seg = chunks_per_tile // SEG
    assert chunks_per_tile % SEG == 0 and n_seg % 2 == 0 and SEG % 2 == 0

    mesh = plsc.VectorSubcoreMesh(core_axis_name="c", subcore_axis_name="s")

    @functools.partial(
        pl.kernel,
        out_type=jax.ShapeDtypeStruct((NC, n_pad, d), jnp.float32),
        mesh=mesh,
        scratch_types=[
            pltpu.VMEM_SHARED((n_pad, d), jnp.float32),
            pltpu.VMEM((2, SEG, CHUNK), jnp.int32),
            pltpu.VMEM((2, SEG, CHUNK), jnp.int32),
            pltpu.VMEM((2, CHUNK, d), jnp.float32),
            pltpu.SemaphoreType.DMA,
            pltpu.SemaphoreType.DMA,
            pltpu.SemaphoreType.DMA,
            pltpu.SemaphoreType.DMA,
        ],
    )
    def agg_kernel(x_hbm, src_hbm, dst_hbm, out_hbm, acc, src_idx,
                   dst_idx, rows, gsem0, gsem1, isem0, isem1):
        cid = lax.axis_index("c")
        sid = lax.axis_index("s")
        wid = cid * NS + sid

        z16 = jnp.zeros((LANES,), jnp.float32)

        @pl.loop(0, CHUNK)
        def _(i):
            for j in range(d // LANES):
                rows[0, i, pl.ds(j * LANES, LANES)] = z16

        row0 = sid * rows_per_tile
        full, rem = divmod(rows_per_tile, CHUNK)
        for k in range(full):
            pltpu.sync_copy(rows.at[0], acc.at[pl.ds(row0 + k * CHUNK, CHUNK)])
        if rem:
            pltpu.sync_copy(rows.at[0, pl.ds(0, rem)],
                            acc.at[pl.ds(row0 + full * CHUNK, rem)])

        chunk0 = wid * chunks_per_tile
        gsems = (gsem0, gsem1)
        isems = (isem0, isem1)

        def stage_seg(s, p):
            off = chunk0 + s * SEG
            pltpu.async_copy(src_hbm.at[pl.ds(off, SEG)], src_idx.at[p],
                             isems[p])
            pltpu.async_copy(dst_hbm.at[pl.ds(off, SEG)], dst_idx.at[p],
                             isems[p])

        def wait_seg(s, p):
            off = chunk0 + s * SEG
            pltpu.make_async_copy(src_hbm.at[pl.ds(off, SEG)], src_idx.at[p],
                                  isems[p]).wait()
            pltpu.make_async_copy(dst_hbm.at[pl.ds(off, SEG)], dst_idx.at[p],
                                  isems[p]).wait()

        stage_seg(0, 0)
        wait_seg(0, 0)
        pltpu.async_copy(x_hbm.at[src_idx.at[0, 0]], rows.at[0], gsem0)
        stage_seg(1, 1)

        plsc.subcore_barrier()

        @pl.loop(0, n_seg, step=2)
        def _(s0):
            for sp in range(2):
                s = s0 + sp

                @pl.when(s > 0)
                def _():
                    wait_seg(s, sp)
                    pltpu.async_copy(x_hbm.at[src_idx.at[sp, 0]], rows.at[0],
                                     gsem0)

                @pl.loop(0, SEG, step=2)
                def _(c0):
                    for b in range(2):
                        c = c0 + b

                        @pl.when(c + 1 < SEG)
                        def _():
                            pltpu.async_copy(x_hbm.at[src_idx.at[sp, c + 1]],
                                             rows.at[1 - b], gsems[1 - b])

                        pltpu.make_async_copy(x_hbm.at[src_idx.at[sp, c]],
                                              rows.at[b], gsems[b]).wait()
                        pltpu.sync_copy(rows.at[b], acc.at[dst_idx.at[sp, c]],
                                        add=True)

                @pl.when(s + 2 < n_seg)
                def _():
                    stage_seg(s + 2, sp)

        plsc.subcore_barrier()

        pltpu.sync_copy(acc.at[pl.ds(row0, rows_per_tile)],
                        out_hbm.at[cid, pl.ds(row0, rows_per_tile)])

    return agg_kernel(x, src2, dst2)


def _dense_block(p_ref, x_ref, wrel_ref, b_ref, wroot_ref, o_ref):
    agg = p_ref[0] + p_ref[1]
    rel = lax.dot_general(agg, wrel_ref[...], (((1,), (1,)), ((), ())),
                          preferred_element_type=jnp.float32)
    root = lax.dot_general(x_ref[...], wroot_ref[...], (((1,), (1,)), ((), ())),
                           preferred_element_type=jnp.float32)
    o_ref[...] = jnp.maximum(rel + b_ref[...] + root, 0.0)


@jax.jit
def _tc_dense(parts, x, wrel, brel, wroot):
    n, d = x.shape
    bn = 1000
    grid = n // bn
    return pl.pallas_call(
        _dense_block,
        grid=(grid,),
        in_specs=[
            pl.BlockSpec((NC, bn, d), lambda i: (0, i, 0)),
            pl.BlockSpec((bn, d), lambda i: (i, 0)),
            pl.BlockSpec((d, d), lambda i: (0, 0)),
            pl.BlockSpec((1, d), lambda i: (0, 0)),
            pl.BlockSpec((d, d), lambda i: (0, 0)),
        ],
        out_specs=pl.BlockSpec((bn, d), lambda i: (i, 0)),
        out_shape=jax.ShapeDtypeStruct((n, d), jnp.float32),
    )(parts, x, wrel, brel.reshape(1, d), wroot)


def kernel(x, edge_index, W1_rel, b1_rel, W1_root, W2_rel, b2_rel, W2_root):
    n, d = x.shape
    e = edge_index.shape[1]
    assert n % 1000 == 0 and d % LANES == 0

    n_pad = -(-n // (NS * 8)) * (NS * 8)
    e_pad = -(-e // (NW * CHUNK * 8)) * (NW * CHUNK * 8)
    pad = e_pad - e
    src = edge_index[0]
    dst = edge_index[1]
    if pad:
        src = jnp.concatenate([src, jnp.arange(pad, dtype=jnp.int32) % n])
        dst = jnp.concatenate(
            [dst, n + jnp.arange(pad, dtype=jnp.int32) % (n_pad - n)])
    src2 = src.reshape(e_pad // CHUNK, CHUNK)
    dst2 = dst.reshape(e_pad // CHUNK, CHUNK)

    p1 = _sc_agg(x, src2, dst2, n_pad=n_pad)
    h = _tc_dense(p1, x, W1_rel, b1_rel, W1_root)
    p2 = _sc_agg(h, src2, dst2, n_pad=n_pad)
    return _tc_dense(p2, h, W2_rel, b2_rel, W2_root)

# --- scband reference (transcript-rebuilt; emitter-appended) ---
"""Pipeline reference for scband-gnn-68453188764137 (READ-ONLY COPY).

The authoritative reference and input builder live on the scoring server;
editing this copy changes nothing except your own understanding.
"""

import jax, jax.numpy as jnp
import numpy as np

N = 10000
E = 320000
D = 128

def setup_inputs(seed: int = 0) -> dict:
    key = jax.random.key(seed)
    ks = jax.random.split(key, 9)
    x = jax.random.normal(ks[0], (N, D), dtype=jnp.float32)
    edge_index = jax.random.randint(ks[1], (2, E), 0, N, dtype=jnp.int32)
    scale = 1.0 / np.sqrt(D)
    W1_rel = jax.random.normal(ks[2], (D, D), dtype=jnp.float32) * scale
    b1_rel = jnp.zeros((D,), dtype=jnp.float32)
    W1_root = jax.random.normal(ks[3], (D, D), dtype=jnp.float32) * scale
    W2_rel = jax.random.normal(ks[4], (D, D), dtype=jnp.float32) * scale
    b2_rel = jnp.zeros((D,), dtype=jnp.float32)
    W2_root = jax.random.normal(ks[5], (D, D), dtype=jnp.float32) * scale
    return {"x": x, "edge_index": edge_index,
            "W1_rel": W1_rel, "b1_rel": b1_rel, "W1_root": W1_root,
            "W2_rel": W2_rel, "b2_rel": b2_rel, "W2_root": W2_root}

def reference(x, edge_index, W1_rel, b1_rel, W1_root, W2_rel, b2_rel, W2_root):
    # PyG GraphConv: out_i = lin_root(x_i) + lin_rel(sum_{j in N(i)} x_j)
    # flow source_to_target: messages go from edge_index[0] (src) to edge_index[1] (dst)
    src = edge_index[0]
    dst = edge_index[1]

    def conv(h, Wrel, brel, Wroot):
        msg = jnp.take(h, src, axis=0)                      # gather source node features
        agg = jax.ops.segment_sum(msg, dst, num_segments=N)  # scatter-add to dst nodes
        return agg @ Wrel.T + brel + h @ Wroot.T             # lin_rel (bias) + lin_root (no bias)

    h = jax.nn.relu(conv(x, W1_rel, b1_rel, W1_root))
    out = jax.nn.relu(conv(h, W2_rel, b2_rel, W2_root))
    return out

if __name__ == "__main__":
    import jax
    _d = setup_inputs()
    print(jax.jit(kernel)(*tuple(_d.values())))

</pallas_src>

<mosaic_0001>
#map = affine_map<(d0, d1) -> (0, 0)>
#map1 = affine_map<(d0, d1) -> (0, 0, 0)>
module attributes {stable_mosaic.version = 14 : i64} {
  func.func @agg_kernel(%arg0: i32, %arg1: i32, %arg2: memref<10000x128xf32, #tpu.memory_space<hbm>>, %arg3: memref<2560x128xi32, #tpu.memory_space<hbm>>, %arg4: memref<2560x128xi32, #tpu.memory_space<hbm>>, %arg5: memref<2x10112x128xf32, #tpu.memory_space<hbm>>, %arg6: memref<10112x128xf32, #tpu.memory_space<vmem_shared>>, %arg7: memref<2x8x128xi32, #tpu.memory_space<vmem>>, %arg8: memref<2x8x128xi32, #tpu.memory_space<vmem>>, %arg9: memref<2x128x128xf32, #tpu.memory_space<vmem>>, %arg10: memref<!tpu.dma_semaphore, #tpu.memory_space<semaphore_mem>>, %arg11: memref<!tpu.dma_semaphore, #tpu.memory_space<semaphore_mem>>, %arg12: memref<!tpu.dma_semaphore, #tpu.memory_space<semaphore_mem>>, %arg13: memref<!tpu.dma_semaphore, #tpu.memory_space<semaphore_mem>>) attributes {dimension_semantics = [#tpu.dimension_semantics<core_parallel>, #tpu.dimension_semantics<subcore_parallel>], iteration_bounds = array<i64: 2, 16>, scalar_prefetch = 0 : i64, scratch_operands = 8 : i64, tpu.core_type = #tpu.core_type<sc_vector_subcore>, window_params = [{transform_indices = #map}, {transform_indices = #map}, {transform_indices = #map}, {transform_indices = #map1}]} {
    %mul3A = arith.constant 16 : i32
    %mul3A_0 = arith.muli %arg0, %mul3A : i32
    %add3A = arith.addi %mul3A_0, %arg1 : i32
    %broadcast_in_dim3A = arith.constant 0.000000e+00 : f32
    %broadcast_in_dim3A_1 = vector.broadcast %broadcast_in_dim3A : f32 to vector<16xf32>
    %scan3A = arith.constant 0 : i32
    %scan3A_2 = arith.constant 128 : i32
    %scan3A_3 = arith.addi %scan3A, %scan3A_2 : i32
    %scan3A_4 = arith.constant 1 : i32
    scf.for %scan3A_125 = %scan3A to %scan3A_3 step %scan3A_4  : i32 {
      %mul3A_126 = arith.constant 1 : i32
      %mul3A_127 = arith.muli %scan3A_125, %mul3A_126 : i32
      %add3A_128 = arith.constant 0 : i32
      %add3A_129 = arith.addi %add3A_128, %mul3A_127 : i32
      %swap3A = arith.constant 0 : i32
      %swap3A_130 = arith.index_cast %swap3A : i32 to index
      %swap3A_131 = arith.index_cast %add3A_129 : i32 to index
      %swap3A_132 = arith.constant 0 : index
      %swap3A_133 = tpu.vector_load %arg9[%swap3A_130, %swap3A_131, %swap3A_132] {strides = array<i32>} : memref<2x128x128xf32, #tpu.memory_space<vmem>>, vector<1x1x16xf32>,
      %swap3A_134 = vector.shape_cast %swap3A_133 : vector<1x1x16xf32> to vector<16xf32>
      %swap3A_135 = vector.shape_cast %broadcast_in_dim3A_1 : vector<16xf32> to vector<1x1x16xf32>
      tpu.vector_store %arg9[%swap3A_130, %swap3A_131, %swap3A_132], %swap3A_135 {strides = array<i32>} : memref<2x128x128xf32, #tpu.memory_space<vmem>>, vector<1x1x16xf32>,
      %swap3A_136 = arith.constant 0 : i32
      %swap3A_137 = arith.index_cast %swap3A_136 : i32 to index
      %swap3A_138 = arith.index_cast %add3A_129 : i32 to index
      %swap3A_139 = arith.constant 16 : index
      %swap3A_140 = tpu.vector_load %arg9[%swap3A_137, %swap3A_138, %swap3A_139] {strides = array<i32>} : memref<2x128x128xf32, #tpu.memory_space<vmem>>, vector<1x1x16xf32>,
      %swap3A_141 = vector.shape_cast %swap3A_140 : vector<1x1x16xf32> to vector<16xf32>
      %swap3A_142 = vector.shape_cast %broadcast_in_dim3A_1 : vector<16xf32> to vector<1x1x16xf32>
      tpu.vector_store %arg9[%swap3A_137, %swap3A_138, %swap3A_139], %swap3A_142 {strides = array<i32>} : memref<2x128x128xf32, #tpu.memory_space<vmem>>, vector<1x1x16xf32>,
      %swap3A_143 = arith.constant 0 : i32
      %swap3A_144 = arith.index_cast %swap3A_143 : i32 to index
      %swap3A_145 = arith.index_cast %add3A_129 : i32 to index
      %swap3A_146 = arith.constant 32 : index
      %swap3A_147 = tpu.vector_load %arg9[%swap3A_144, %swap3A_145, %swap3A_146] {strides = array<i32>} : memref<2x128x128xf32, #tpu.memory_space<vmem>>, vector<1x1x16xf32>,
      %swap3A_148 = vector.shape_cast %swap3A_147 : vector<1x1x16xf32> to vector<16xf32>
      %swap3A_149 = vector.shape_cast %broadcast_in_dim3A_1 : vector<16xf32> to vector<1x1x16xf32>
      tpu.vector_store %arg9[%swap3A_144, %swap3A_145, %swap3A_146], %swap3A_149 {strides = array<i32>} : memref<2x128x128xf32, #tpu.memory_space<vmem>>, vector<1x1x16xf32>,
      %swap3A_150 = arith.constant 0 : i32
      %swap3A_151 = arith.index_cast %swap3A_150 : i32 to index
      %swap3A_152 = arith.index_cast %add3A_129 : i32 to index
      %swap3A_153 = arith.constant 48 : index
      %swap3A_154 = tpu.vector_load %arg9[%swap3A_151, %swap3A_152, %swap3A_153] {strides = array<i32>} : memref<2x128x128xf32, #tpu.memory_space<vmem>>, vector<1x1x16xf32>,
      %swap3A_155 = vector.shape_cast %swap3A_154 : vector<1x1x16xf32> to vector<16xf32>
      %swap3A_156 = vector.shape_cast %broadcast_in_dim3A_1 : vector<16xf32> to vector<1x1x16xf32>
      tpu.vector_store %arg9[%swap3A_151, %swap3A_152, %swap3A_153], %swap3A_156 {strides = array<i32>} : memref<2x128x128xf32, #tpu.memory_space<vmem>>, vector<1x1x16xf32>,
      %swap3A_157 = arith.constant 0 : i32
      %swap3A_158 = arith.index_cast %swap3A_157 : i32 to index
      %swap3A_159 = arith.index_cast %add3A_129 : i32 to index
      %swap3A_160 = arith.constant 64 : index
      %swap3A_161 = tpu.vector_load %arg9[%swap3A_158, %swap3A_159, %swap3A_160] {strides = array<i32>} : memref<2x128x128xf32, #tpu.memory_space<vmem>>, vector<1x1x16xf32>,
      %swap3A_162 = vector.shape_cast %swap3A_161 : vector<1x1x16xf32> to vector<16xf32>
      %swap3A_163 = vector.shape_cast %broadcast_in_dim3A_1 : vector<16xf32> to vector<1x1x16xf32>
      tpu.vector_store %arg9[%swap3A_158, %swap3A_159, %swap3A_160], %swap3A_163 {strides = array<i32>} : memref<2x128x128xf32, #tpu.memory_space<vmem>>, vector<1x1x16xf32>,
      %swap3A_164 = arith.constant 0 : i32
      %swap3A_165 = arith.index_cast %swap3A_164 : i32 to index
      %swap3A_166 = arith.index_cast %add3A_129 : i32 to index
      %swap3A_167 = arith.constant 80 : index
      %swap3A_168 = tpu.vector_load %arg9[%swap3A_165, %swap3A_166, %swap3A_167] {strides = array<i32>} : memref<2x128x128xf32, #tpu.memory_space<vmem>>, vector<1x1x16xf32>,
      %swap3A_169 = vector.shape_cast %swap3A_168 : vector<1x1x16xf32> to vector<16xf32>
      %swap3A_170 = vector.shape_cast %broadcast_in_dim3A_1 : vector<16xf32> to vector<1x1x16xf32>
      tpu.vector_store %arg9[%swap3A_165, %swap3A_166, %swap3A_167], %swap3A_170 {strides = array<i32>} : memref<2x128x128xf32, #tpu.memory_space<vmem>>, vector<1x1x16xf32>,
      %swap3A_171 = arith.constant 0 : i32
      %swap3A_172 = arith.index_cast %swap3A_171 : i32 to index
      %swap3A_173 = arith.index_cast %add3A_129 : i32 to index
      %swap3A_174 = arith.constant 96 : index
      %swap3A_175 = tpu.vector_load %arg9[%swap3A_172, %swap3A_173, %swap3A_174] {strides = array<i32>} : memref<2x128x128xf32, #tpu.memory_space<vmem>>, vector<1x1x16xf32>,
      %swap3A_176 = vector.shape_cast %swap3A_175 : vector<1x1x16xf32> to vector<16xf32>
      %swap3A_177 = vector.shape_cast %broadcast_in_dim3A_1 : vector<16xf32> to vector<1x1x16xf32>
      tpu.vector_store %arg9[%swap3A_172, %swap3A_173, %swap3A_174], %swap3A_177 {strides = array<i32>} : memref<2x128x128xf32, #tpu.memory_space<vmem>>, vector<1x1x16xf32>,
      %swap3A_178 = arith.constant 0 : i32
      %swap3A_179 = arith.index_cast %swap3A_178 : i32 to index
      %swap3A_180 = arith.index_cast %add3A_129 : i32 to index
      %swap3A_181 = arith.constant 112 : index
      %swap3A_182 = tpu.vector_load %arg9[%swap3A_179, %swap3A_180, %swap3A_181] {strides = array<i32>} : memref<2x128x128xf32, #tpu.memory_space<vmem>>, vector<1x1x16xf32>,
      %swap3A_183 = vector.shape_cast %swap3A_182 : vector<1x1x16xf32> to vector<16xf32>
      %swap3A_184 = vector.shape_cast %broadcast_in_dim3A_1 : vector<16xf32> to vector<1x1x16xf32>
      tpu.vector_store %arg9[%swap3A_179, %swap3A_180, %swap3A_181], %swap3A_184 {strides = array<i32>} : memref<2x128x128xf32, #tpu.memory_space<vmem>>, vector<1x1x16xf32>,
    }
    %scan3A_5 = arith.constant 128 : i32
    %mul3A_6 = arith.constant 632 : i32
    %mul3A_7 = arith.muli %arg1, %mul3A_6 : i32
    %add3A_8 = arith.constant 0 : i32
    %add3A_9 = arith.addi %mul3A_7, %add3A_8 : i32
    %run_scoped3A = arith.constant 0 : i32
    "tpu.region"() ({
      %run_scoped3A_125 = tpu.sem_alloc : memref<!tpu.dma_semaphore, #tpu.memory_space<semaphore_mem>>
      %dma_start3A_126 = arith.constant 0 : i32
      %dma_start3A_127 = arith.constant 0 : i32
      %dma_start3A_128 = tpu.memref_slice %arg9[%run_scoped3A, %dma_start3A_126, %dma_start3A_127] : memref<2x128x128xf32, #tpu.memory_space<vmem>> -> memref<1x128x128xf32, #tpu.memory_space<vmem>>
      %dma_start3A_129 = tpu.memref_squeeze %dma_start3A_128 : memref<1x128x128xf32, #tpu.memory_space<vmem>> -> memref<128x128xf32, #tpu.memory_space<vmem>>
      %dma_start3A_130 = arith.constant 0 : i32
      %dma_start3A_131 = tpu.memref_slice %arg6[%add3A_9, %dma_start3A_130] : memref<10112x128xf32, #tpu.memory_space<vmem_shared>> -> memref<128x128xf32, #tpu.memory_space<vmem_shared>>
      %dma_start3A_132 = arith.constant 0 : i32
      %dma_start3A_133 = tpu.memref_slice %arg6[%add3A_9, %dma_start3A_132] : memref<10112x128xf32, #tpu.memory_space<vmem_shared>> -> memref<128x128xf32, #tpu.memory_space<vmem_shared>>
      %dma_start3A_134 = arith.constant 0 : i32
      %dma_start3A_135 = arith.constant 0 : i32
      %dma_start3A_136 = tpu.memref_slice %arg9[%run_scoped3A, %dma_start3A_134, %dma_start3A_135] : memref<2x128x128xf32, #tpu.memory_space<vmem>> -> memref<1x128x128xf32, #tpu.memory_space<vmem>>
      %dma_start3A_137 = tpu.memref_squeeze %dma_start3A_136 : memref<1x128x128xf32, #tpu.memory_space<vmem>> -> memref<128x128xf32, #tpu.memory_space<vmem>>
      tpu.enqueue_dma source(%dma_start3A_137 : memref<128x128xf32, #tpu.memory_space<vmem>>) target(%dma_start3A_133 : memref<128x128xf32, #tpu.memory_space<vmem_shared>>) target_semaphore(%run_scoped3A_125 : memref<!tpu.dma_semaphore, #tpu.memory_space<semaphore_mem>>)
      %dma_wait3A_138 = arith.constant 0 : i32
      %dma_wait3A_139 = arith.constant 0 : i32
      %dma_wait3A_140 = tpu.memref_slice %arg9[%run_scoped3A, %dma_wait3A_138, %dma_wait3A_139] : memref<2x128x128xf32, #tpu.memory_space<vmem>> -> memref<1x128x128xf32, #tpu.memory_space<vmem>>
      %dma_wait3A_141 = tpu.memref_squeeze %dma_wait3A_140 : memref<1x128x128xf32, #tpu.memory_space<vmem>> -> memref<128x128xf32, #tpu.memory_space<vmem>>
      %dma_wait3A_142 = arith.constant 0 : i32
      %dma_wait3A_143 = tpu.memref_slice %arg6[%add3A_9, %dma_wait3A_142] : memref<10112x128xf32, #tpu.memory_space<vmem_shared>> -> memref<128x128xf32, #tpu.memory_space<vmem_shared>>
      %dma_wait3A_144 = arith.constant 0 : i32
      %dma_wait3A_145 = tpu.memref_slice %arg6[%add3A_9, %dma_wait3A_144] : memref<10112x128xf32, #tpu.memory_space<vmem_shared>> -> memref<128x128xf32, #tpu.memory_space<vmem_shared>>
      %dma_wait3A_146 = arith.constant 0 : i32
      %dma_wait3A_147 = arith.constant 0 : i32
      %dma_wait3A_148 = tpu.memref_slice %arg9[%run_scoped3A, %dma_wait3A_146, %dma_wait3A_147] : memref<2x128x128xf32, #tpu.memory_space<vmem>> -> memref<1x128x128xf32, #tpu.memory_space<vmem>>
      %dma_wait3A_149 = tpu.memref_squeeze %dma_wait3A_148 : memref<1x128x128xf32, #tpu.memory_space<vmem>> -> memref<128x128xf32, #tpu.memory_space<vmem>>
      tpu.wait_dma2 semaphore(%run_scoped3A_125 : memref<!tpu.dma_semaphore, #tpu.memory_space<semaphore_mem>>) src(%dma_wait3A_149 : memref<128x128xf32, #tpu.memory_space<vmem>>) dst(%dma_wait3A_145 : memref<128x128xf32, #tpu.memory_space<vmem_shared>>)
      tpu.yield
    }) : () -> ()
    %add3A_10 = arith.constant 128 : i32
    %add3A_11 = arith.addi %mul3A_7, %add3A_10 : i32
    %run_scoped3A_12 = arith.constant 0 : i32
    "tpu.region"() ({
      %run_scoped3A_125 = tpu.sem_alloc : memref<!tpu.dma_semaphore, #tpu.memory_space<semaphore_mem>>
      %dma_start3A_126 = arith.constant 0 : i32
      %dma_start3A_127 = arith.constant 0 : i32
      %dma_start3A_128 = tpu.memref_slice %arg9[%run_scoped3A_12, %dma_start3A_126, %dma_start3A_127] : memref<2x128x128xf32, #tpu.memory_space<vmem>> -> memref<1x128x128xf32, #tpu.memory_space<vmem>>
      %dma_start3A_129 = tpu.memref_squeeze %dma_start3A_128 : memref<1x128x128xf32, #tpu.memory_space<vmem>> -> memref<128x128xf32, #tpu.memory_space<vmem>>
      %dma_start3A_130 = arith.constant 0 : i32
      %dma_start3A_131 = tpu.memref_slice %arg6[%add3A_11, %dma_start3A_130] : memref<10112x128xf32, #tpu.memory_space<vmem_shared>> -> memref<128x128xf32, #tpu.memory_space<vmem_shared>>
      %dma_start3A_132 = arith.constant 0 : i32
      %dma_start3A_133 = tpu.memref_slice %arg6[%add3A_11, %dma_start3A_132] : memref<10112x128xf32, #tpu.memory_space<vmem_shared>> -> memref<128x128xf32, #tpu.memory_space<vmem_shared>>
      %dma_start3A_134 = arith.constant 0 : i32
      %dma_start3A_135 = arith.constant 0 : i32
      %dma_start3A_136 = tpu.memref_slice %arg9[%run_scoped3A_12, %dma_start3A_134, %dma_start3A_135] : memref<2x128x128xf32, #tpu.memory_space<vmem>> -> memref<1x128x128xf32, #tpu.memory_space<vmem>>
      %dma_start3A_137 = tpu.memref_squeeze %dma_start3A_136 : memref<1x128x128xf32, #tpu.memory_space<vmem>> -> memref<128x128xf32, #tpu.memory_space<vmem>>
      tpu.enqueue_dma source(%dma_start3A_137 : memref<128x128xf32, #tpu.memory_space<vmem>>) target(%dma_start3A_133 : memref<128x128xf32, #tpu.memory_space<vmem_shared>>) target_semaphore(%run_scoped3A_125 : memref<!tpu.dma_semaphore, #tpu.memory_space<semaphore_mem>>)
      %dma_wait3A_138 = arith.constant 0 : i32
      %dma_wait3A_139 = arith.constant 0 : i32
      %dma_wait3A_140 = tpu.memref_slice %arg9[%run_scoped3A_12, %dma_wait3A_138, %dma_wait3A_139] : memref<2x128x128xf32, #tpu.memory_space<vmem>> -> memref<1x128x128xf32, #tpu.memory_space<vmem>>
      %dma_wait3A_141 = tpu.memref_squeeze %dma_wait3A_140 : memref<1x128x128xf32, #tpu.memory_space<vmem>> -> memref<128x128xf32, #tpu.memory_space<vmem>>
      %dma_wait3A_142 = arith.constant 0 : i32
      %dma_wait3A_143 = tpu.memref_slice %arg6[%add3A_11, %dma_wait3A_142] : memref<10112x128xf32, #tpu.memory_space<vmem_shared>> -> memref<128x128xf32, #tpu.memory_space<vmem_shared>>
      %dma_wait3A_144 = arith.constant 0 : i32
      %dma_wait3A_145 = tpu.memref_slice %arg6[%add3A_11, %dma_wait3A_144] : memref<10112x128xf32, #tpu.memory_space<vmem_shared>> -> memref<128x128xf32, #tpu.memory_space<vmem_shared>>
      %dma_wait3A_146 = arith.constant 0 : i32
      %dma_wait3A_147 = arith.constant 0 : i32
      %dma_wait3A_148 = tpu.memref_slice %arg9[%run_scoped3A_12, %dma_wait3A_146, %dma_wait3A_147] : memref<2x128x128xf32, #tpu.memory_space<vmem>> -> memref<1x128x128xf32, #tpu.memory_space<vmem>>
      %dma_wait3A_149 = tpu.memref_squeeze %dma_wait3A_148 : memref<1x128x128xf32, #tpu.memory_space<vmem>> -> memref<128x128xf32, #tpu.memory_space<vmem>>
      tpu.wait_dma2 semaphore(%run_scoped3A_125 : memref<!tpu.dma_semaphore, #tpu.memory_space<semaphore_mem>>) src(%dma_wait3A_149 : memref<128x128xf32, #tpu.memory_space<vmem>>) dst(%dma_wait3A_145 : memref<128x128xf32, #tpu.memory_space<vmem_shared>>)
      tpu.yield
    }) : () -> ()
    %add3A_13 = arith.constant 256 : i32
    %add3A_14 = arith.addi %mul3A_7, %add3A_13 : i32
    %run_scoped3A_15 = arith.constant 0 : i32
    "tpu.region"() ({
      %run_scoped3A_125 = tpu.sem_alloc : memref<!tpu.dma_semaphore, #tpu.memory_space<semaphore_mem>>
      %dma_start3A_126 = arith.constant 0 : i32
      %dma_start3A_127 = arith.constant 0 : i32
      %dma_start3A_128 = tpu.memref_slice %arg9[%run_scoped3A_15, %dma_start3A_126, %dma_start3A_127] : memref<2x128x128xf32, #tpu.memory_space<vmem>> -> memref<1x128x128xf32, #tpu.memory_space<vmem>>
      %dma_start3A_129 = tpu.memref_squeeze %dma_start3A_128 : memref<1x128x128xf32, #tpu.memory_space<vmem>> -> memref<128x128xf32, #tpu.memory_space<vmem>>
      %dma_start3A_130 = arith.constant 0 : i32
      %dma_start3A_131 = tpu.memref_slice %arg6[%add3A_14, %dma_start3A_130] : memref<10112x128xf32, #tpu.memory_space<vmem_shared>> -> memref<128x128xf32, #tpu.memory_space<vmem_shared>>
      %dma_start3A_132 = arith.constant 0 : i32
      %dma_start3A_133 = tpu.memref_slice %arg6[%add3A_14, %dma_start3A_132] : memref<10112x128xf32, #tpu.memory_space<vmem_shared>> -> memref<128x128xf32, #tpu.memory_space<vmem_shared>>
      %dma_start3A_134 = arith.constant 0 : i32
      %dma_start3A_135 = arith.constant 0 : i32
      %dma_start3A_136 = tpu.memref_slice %arg9[%run_scoped3A_15, %dma_start3A_134, %dma_start3A_135] : memref<2x128x128xf32, #tpu.memory_space<vmem>> -> memref<1x128x128xf32, #tpu.memory_space<vmem>>
      %dma_start3A_137 = tpu.memref_squeeze %dma_start3A_136 : memref<1x128x128xf32, #tpu.memory_space<vmem>> -> memref<128x128xf32, #tpu.memory_space<vmem>>
      tpu.enqueue_dma source(%dma_start3A_137 : memref<128x128xf32, #tpu.memory_space<vmem>>) target(%dma_start3A_133 : memref<128x128xf32, #tpu.memory_space<vmem_shared>>) target_semaphore(%run_scoped3A_125 : memref<!tpu.dma_semaphore, #tpu.memory_space<semaphore_mem>>)
      %dma_wait3A_138 = arith.constant 0 : i32
      %dma_wait3A_139 = arith.constant 0 : i32
      %dma_wait3A_140 = tpu.memref_slice %arg9[%run_scoped3A_15, %dma_wait3A_138, %dma_wait3A_139] : memref<2x128x128xf32, #tpu.memory_space<vmem>> -> memref<1x128x128xf32, #tpu.memory_space<vmem>>
      %dma_wait3A_141 = tpu.memref_squeeze %dma_wait3A_140 : memref<1x128x128xf32, #tpu.memory_space<vmem>> -> memref<128x128xf32, #tpu.memory_space<vmem>>
      %dma_wait3A_142 = arith.constant 0 : i32
      %dma_wait3A_143 = tpu.memref_slice %arg6[%add3A_14, %dma_wait3A_142] : memref<10112x128xf32, #tpu.memory_space<vmem_shared>> -> memref<128x128xf32, #tpu.memory_space<vmem_shared>>
      %dma_wait3A_144 = arith.constant 0 : i32
      %dma_wait3A_145 = tpu.memref_slice %arg6[%add3A_14, %dma_wait3A_144] : memref<10112x128xf32, #tpu.memory_space<vmem_shared>> -> memref<128x128xf32, #tpu.memory_space<vmem_shared>>
      %dma_wait3A_146 = arith.constant 0 : i32
      %dma_wait3A_147 = arith.constant 0 : i32
      %dma_wait3A_148 = tpu.memref_slice %arg9[%run_scoped3A_15, %dma_wait3A_146, %dma_wait3A_147] : memref<2x128x128xf32, #tpu.memory_space<vmem>> -> memref<1x128x128xf32, #tpu.memory_space<vmem>>
      %dma_wait3A_149 = tpu.memref_squeeze %dma_wait3A_148 : memref<1x128x128xf32, #tpu.memory_space<vmem>> -> memref<128x128xf32, #tpu.memory_space<vmem>>
      tpu.wait_dma2 semaphore(%run_scoped3A_125 : memref<!tpu.dma_semaphore, #tpu.memory_space<semaphore_mem>>) src(%dma_wait3A_149 : memref<128x128xf32, #tpu.memory_space<vmem>>) dst(%dma_wait3A_145 : memref<128x128xf32, #tpu.memory_space<vmem_shared>>)
      tpu.yield
    }) : () -> ()
    %add3A_16 = arith.constant 384 : i32
    %add3A_17 = arith.addi %mul3A_7, %add3A_16 : i32
    %run_scoped3A_18 = arith.constant 0 : i32
    "tpu.region"() ({
      %run_scoped3A_125 = tpu.sem_alloc : memref<!tpu.dma_semaphore, #tpu.memory_space<semaphore_mem>>
      %dma_start3A_126 = arith.constant 0 : i32
      %dma_start3A_127 = arith.constant 0 : i32
      %dma_start3A_128 = tpu.memref_slice %arg9[%run_scoped3A_18, %dma_start3A_126, %dma_start3A_127] : memref<2x128x128xf32, #tpu.memory_space<vmem>> -> memref<1x128x128xf32, #tpu.memory_space<vmem>>
      %dma_start3A_129 = tpu.memref_squeeze %dma_start3A_128 : memref<1x128x128xf32, #tpu.memory_space<vmem>> -> memref<128x128xf32, #tpu.memory_space<vmem>>
      %dma_start3A_130 = arith.constant 0 : i32
      %dma_start3A_131 = tpu.memref_slice %arg6[%add3A_17, %dma_start3A_130] : memref<10112x128xf32, #tpu.memory_space<vmem_shared>> -> memref<128x128xf32, #tpu.memory_space<vmem_shared>>
      %dma_start3A_132 = arith.constant 0 : i32
      %dma_start3A_133 = tpu.memref_slice %arg6[%add3A_17, %dma_start3A_132] : memref<10112x128xf32, #tpu.memory_space<vmem_shared>> -> memref<128x128xf32, #tpu.memory_space<vmem_shared>>
      %dma_start3A_134 = arith.constant 0 : i32
      %dma_start3A_135 = arith.constant 0 : i32
      %dma_start3A_136 = tpu.memref_slice %arg9[%run_scoped3A_18, %dma_start3A_134, %dma_start3A_135] : memref<2x128x128xf32, #tpu.memory_space<vmem>> -> memref<1x128x128xf32, #tpu.memory_space<vmem>>
      %dma_start3A_137 = tpu.memref_squeeze %dma_start3A_136 : memref<1x128x128xf32, #tpu.memory_space<vmem>> -> memref<128x128xf32, #tpu.memory_space<vmem>>
      tpu.enqueue_dma source(%dma_start3A_137 : memref<128x128xf32, #tpu.memory_space<vmem>>) target(%dma_start3A_133 : memref<128x128xf32, #tpu.memory_space<vmem_shared>>) target_semaphore(%run_scoped3A_125 : memref<!tpu.dma_semaphore, #tpu.memory_space<semaphore_mem>>)
      %dma_wait3A_138 = arith.constant 0 : i32
      %dma_wait3A_139 = arith.constant 0 : i32
      %dma_wait3A_140 = tpu.memref_slice %arg9[%run_scoped3A_18, %dma_wait3A_138, %dma_wait3A_139] : memref<2x128x128xf32, #tpu.memory_space<vmem>> -> memref<1x128x128xf32, #tpu.memory_space<vmem>>
      %dma_wait3A_141 = tpu.memref_squeeze %dma_wait3A_140 : memref<1x128x128xf32, #tpu.memory_space<vmem>> -> memref<128x128xf32, #tpu.memory_space<vmem>>
      %dma_wait3A_142 = arith.constant 0 : i32
      %dma_wait3A_143 = tpu.memref_slice %arg6[%add3A_17, %dma_wait3A_142] : memref<10112x128xf32, #tpu.memory_space<vmem_shared>> -> memref<128x128xf32, #tpu.memory_space<vmem_shared>>
      %dma_wait3A_144 = arith.constant 0 : i32
      %dma_wait3A_145 = tpu.memref_slice %arg6[%add3A_17, %dma_wait3A_144] : memref<10112x128xf32, #tpu.memory_space<vmem_shared>> -> memref<128x128xf32, #tpu.memory_space<vmem_shared>>
      %dma_wait3A_146 = arith.constant 0 : i32
      %dma_wait3A_147 = arith.constant 0 : i32
      %dma_wait3A_148 = tpu.memref_slice %arg9[%run_scoped3A_18, %dma_wait3A_146, %dma_wait3A_147] : memref<2x128x128xf32, #tpu.memory_space<vmem>> -> memref<1x128x128xf32, #tpu.memory_space<vmem>>
      %dma_wait3A_149 = tpu.memref_squeeze %dma_wait3A_148 : memref<1x128x128xf32, #tpu.memory_space<vmem>> -> memref<128x128xf32, #tpu.memory_space<vmem>>
      tpu.wait_dma2 semaphore(%run_scoped3A_125 : memref<!tpu.dma_semaphore, #tpu.memory_space<semaphore_mem>>) src(%dma_wait3A_149 : memref<128x128xf32, #tpu.memory_space<vmem>>) dst(%dma_wait3A_145 : memref<128x128xf32, #tpu.memory_space<vmem_shared>>)
      tpu.yield
    }) : () -> ()
    %add3A_19 = arith.constant 512 : i32
    %add3A_20 = arith.addi %mul3A_7, %add3A_19 : i32
    %run_scoped3A_21 = arith.constant 0 : i32
    "tpu.region"() ({
      %run_scoped3A_125 = tpu.sem_alloc : memref<!tpu.dma_semaphore, #tpu.memory_space<semaphore_mem>>
      %dma_start3A_126 = arith.constant 0 : i32
      %dma_start3A_127 = arith.constant 0 : i32
      %dma_start3A_128 = tpu.memref_slice %arg9[%run_scoped3A_21, %dma_start3A_126, %dma_start3A_127] : memref<2x128x128xf32, #tpu.memory_space<vmem>> -> memref<1x120x128xf32, #tpu.memory_space<vmem>>
      %dma_start3A_129 = tpu.memref_squeeze %dma_start3A_128 : memref<1x120x128xf32, #tpu.memory_space<vmem>> -> memref<120x128xf32, #tpu.memory_space<vmem>>
      %dma_start3A_130 = arith.constant 0 : i32
      %dma_start3A_131 = tpu.memref_slice %arg6[%add3A_20, %dma_start3A_130] : memref<10112x128xf32, #tpu.memory_space<vmem_shared>> -> memref<120x128xf32, #tpu.memory_space<vmem_shared>>
      %dma_start3A_132 = arith.constant 0 : i32
      %dma_start3A_133 = tpu.memref_slice %arg6[%add3A_20, %dma_start3A_132] : memref<10112x128xf32, #tpu.memory_space<vmem_shared>> -> memref<120x128xf32, #tpu.memory_space<vmem_shared>>
      %dma_start3A_134 = arith.constant 0 : i32
      %dma_start3A_135 = arith.constant 0 : i32
      %dma_start3A_136 = tpu.memref_slice %arg9[%run_scoped3A_21, %dma_start3A_134, %dma_start3A_135] : memref<2x128x128xf32, #tpu.memory_space<vmem>> -> memref<1x120x128xf32, #tpu.memory_space<vmem>>
      %dma_start3A_137 = tpu.memref_squeeze %dma_start3A_136 : memref<1x120x128xf32, #tpu.memory_space<vmem>> -> memref<120x128xf32, #tpu.memory_space<vmem>>
      tpu.enqueue_dma source(%dma_start3A_137 : memref<120x128xf32, #tpu.memory_space<vmem>>) target(%dma_start3A_133 : memref<120x128xf32, #tpu.memory_space<vmem_shared>>) target_semaphore(%run_scoped3A_125 : memref<!tpu.dma_semaphore, #tpu.memory_space<semaphore_mem>>)
      %dma_wait3A_138 = arith.constant 0 : i32
      %dma_wait3A_139 = arith.constant 0 : i32
      %dma_wait3A_140 = tpu.memref_slice %arg9[%run_scoped3A_21, %dma_wait3A_138, %dma_wait3A_139] : memref<2x128x128xf32, #tpu.memory_space<vmem>> -> memref<1x120x128xf32, #tpu.memory_space<vmem>>
      %dma_wait3A_141 = tpu.memref_squeeze %dma_wait3A_140 : memref<1x120x128xf32, #tpu.memory_space<vmem>> -> memref<120x128xf32, #tpu.memory_space<vmem>>
      %dma_wait3A_142 = arith.constant 0 : i32
      %dma_wait3A_143 = tpu.memref_slice %arg6[%add3A_20, %dma_wait3A_142] : memref<10112x128xf32, #tpu.memory_space<vmem_shared>> -> memref<120x128xf32, #tpu.memory_space<vmem_shared>>
      %dma_wait3A_144 = arith.constant 0 : i32
      %dma_wait3A_145 = tpu.memref_slice %arg6[%add3A_20, %dma_wait3A_144] : memref<10112x128xf32, #tpu.memory_space<vmem_shared>> -> memref<120x128xf32, #tpu.memory_space<vmem_shared>>
      %dma_wait3A_146 = arith.constant 0 : i32
      %dma_wait3A_147 = arith.constant 0 : i32
      %dma_wait3A_148 = tpu.memref_slice %arg9[%run_scoped3A_21, %dma_wait3A_146, %dma_wait3A_147] : memref<2x128x128xf32, #tpu.memory_space<vmem>> -> memref<1x120x128xf32, #tpu.memory_space<vmem>>
      %dma_wait3A_149 = tpu.memref_squeeze %dma_wait3A_148 : memref<1x120x128xf32, #tpu.memory_space<vmem>> -> memref<120x128xf32, #tpu.memory_space<vmem>>
      tpu.wait_dma2 semaphore(%run_scoped3A_125 : memref<!tpu.dma_semaphore, #tpu.memory_space<semaphore_mem>>) src(%dma_wait3A_149 : memref<120x128xf32, #tpu.memory_space<vmem>>) dst(%dma_wait3A_145 : memref<120x128xf32, #tpu.memory_space<vmem_shared>>)
      tpu.yield
    }) : () -> ()
    %mul3A_22 = arith.constant 80 : i32
    %mul3A_23 = arith.muli %add3A, %mul3A_22 : i32
    %add3A_24 = arith.constant 0 : i32
    %add3A_25 = arith.addi %mul3A_23, %add3A_24 : i32
    %dma_start3A = arith.constant 0 : i32
    %dma_start3A_26 = arith.constant 0 : i32
    %dma_start3A_27 = arith.constant 0 : i32
    %dma_start3A_28 = tpu.memref_slice %arg7[%dma_start3A, %dma_start3A_26, %dma_start3A_27] : memref<2x8x128xi32, #tpu.memory_space<vmem>> -> memref<1x8x128xi32, #tpu.memory_space<vmem>>
    %dma_start3A_29 = tpu.memref_squeeze %dma_start3A_28 : memref<1x8x128xi32, #tpu.memory_space<vmem>> -> memref<8x128xi32, #tpu.memory_space<vmem>>
    %dma_start3A_30 = arith.constant 0 : i32
    %dma_start3A_31 = tpu.memref_slice %arg3[%add3A_25, %dma_start3A_30] : memref<2560x128xi32, #tpu.memory_space<hbm>> -> memref<8x128xi32, #tpu.memory_space<hbm>>
    %dma_start3A_32 = arith.constant 0 : i32
    %dma_start3A_33 = arith.constant 0 : i32
    %dma_start3A_34 = tpu.memref_slice %arg7[%dma_start3A, %dma_start3A_32, %dma_start3A_33] : memref<2x8x128xi32, #tpu.memory_space<vmem>> -> memref<1x8x128xi32, #tpu.memory_space<vmem>>
    %dma_start3A_35 = tpu.memref_squeeze %dma_start3A_34 : memref<1x8x128xi32, #tpu.memory_space<vmem>> -> memref<8x128xi32, #tpu.memory_space<vmem>>
    %dma_start3A_36 = arith.constant 0 : i32
    %dma_start3A_37 = tpu.memref_slice %arg3[%add3A_25, %dma_start3A_36] : memref<2560x128xi32, #tpu.memory_space<hbm>> -> memref<8x128xi32, #tpu.memory_space<hbm>>
    tpu.enqueue_dma source(%dma_start3A_37 : memref<8x128xi32, #tpu.memory_space<hbm>>) target(%dma_start3A_35 : memref<8x128xi32, #tpu.memory_space<vmem>>) target_semaphore(%arg12 : memref<!tpu.dma_semaphore, #tpu.memory_space<semaphore_mem>>)
    %dma_start3A_38 = arith.constant 0 : i32
    %dma_start3A_39 = arith.constant 0 : i32
    %dma_start3A_40 = arith.constant 0 : i32
    %dma_start3A_41 = tpu.memref_slice %arg8[%dma_start3A_38, %dma_start3A_39, %dma_start3A_40] : memref<2x8x128xi32, #tpu.memory_space<vmem>> -> memref<1x8x128xi32, #tpu.memory_space<vmem>>
    %dma_start3A_42 = tpu.memref_squeeze %dma_start3A_41 : memref<1x8x128xi32, #tpu.memory_space<vmem>> -> memref<8x128xi32, #tpu.memory_space<vmem>>
    %dma_start3A_43 = arith.constant 0 : i32
    %dma_start3A_44 = tpu.memref_slice %arg4[%add3A_25, %dma_start3A_43] : memref<2560x128xi32, #tpu.memory_space<hbm>> -> memref<8x128xi32, #tpu.memory_space<hbm>>
    %dma_start3A_45 = arith.constant 0 : i32
    %dma_start3A_46 = arith.constant 0 : i32
    %dma_start3A_47 = tpu.memref_slice %arg8[%dma_start3A_38, %dma_start3A_45, %dma_start3A_46] : memref<2x8x128xi32, #tpu.memory_space<vmem>> -> memref<1x8x128xi32, #tpu.memory_space<vmem>>
    %dma_start3A_48 = tpu.memref_squeeze %dma_start3A_47 : memref<1x8x128xi32, #tpu.memory_space<vmem>> -> memref<8x128xi32, #tpu.memory_space<vmem>>
    %dma_start3A_49 = arith.constant 0 : i32
    %dma_start3A_50 = tpu.memref_slice %arg4[%add3A_25, %dma_start3A_49] : memref<2560x128xi32, #tpu.memory_space<hbm>> -> memref<8x128xi32, #tpu.memory_space<hbm>>
    tpu.enqueue_dma source(%dma_start3A_50 : memref<8x128xi32, #tpu.memory_space<hbm>>) target(%dma_start3A_48 : memref<8x128xi32, #tpu.memory_space<vmem>>) target_semaphore(%arg12 : memref<!tpu.dma_semaphore, #tpu.memory_space<semaphore_mem>>)
    %add3A_51 = arith.constant 0 : i32
    %add3A_52 = arith.addi %mul3A_23, %add3A_51 : i32
    %dma_wait3A = arith.constant 0 : i32
    %dma_wait3A_53 = arith.constant 0 : i32
    %dma_wait3A_54 = arith.constant 0 : i32
    %dma_wait3A_55 = tpu.memref_slice %arg7[%dma_wait3A, %dma_wait3A_53, %dma_wait3A_54] : memref<2x8x128xi32, #tpu.memory_space<vmem>> -> memref<1x8x128xi32, #tpu.memory_space<vmem>>
    %dma_wait3A_56 = tpu.memref_squeeze %dma_wait3A_55 : memref<1x8x128xi32, #tpu.memory_space<vmem>> -> memref<8x128xi32, #tpu.memory_space<vmem>>
    %dma_wait3A_57 = arith.constant 0 : i32
    %dma_wait3A_58 = tpu.memref_slice %arg3[%add3A_52, %dma_wait3A_57] : memref<2560x128xi32, #tpu.memory_space<hbm>> -> memref<8x128xi32, #tpu.memory_space<hbm>>
    %dma_wait3A_59 = arith.constant 0 : i32
    %dma_wait3A_60 = arith.constant 0 : i32
    %dma_wait3A_61 = tpu.memref_slice %arg7[%dma_wait3A, %dma_wait3A_59, %dma_wait3A_60] : memref<2x8x128xi32, #tpu.memory_space<vmem>> -> memref<1x8x128xi32, #tpu.memory_space<vmem>>
    %dma_wait3A_62 = tpu.memref_squeeze %dma_wait3A_61 : memref<1x8x128xi32, #tpu.memory_space<vmem>> -> memref<8x128xi32, #tpu.memory_space<vmem>>
    %dma_wait3A_63 = arith.constant 0 : i32
    %dma_wait3A_64 = tpu.memref_slice %arg3[%add3A_52, %dma_wait3A_63] : memref<2560x128xi32, #tpu.memory_space<hbm>> -> memref<8x128xi32, #tpu.memory_space<hbm>>
    tpu.wait_dma2 semaphore(%arg12 : memref<!tpu.dma_semaphore, #tpu.memory_space<semaphore_mem>>) src(%dma_wait3A_64 : memref<8x128xi32, #tpu.memory_space<hbm>>) dst(%dma_wait3A_62 : memref<8x128xi32, #tpu.memory_space<vmem>>)
    %dma_wait3A_65 = arith.constant 0 : i32
    %dma_wait3A_66 = arith.constant 0 : i32
    %dma_wait3A_67 = arith.constant 0 : i32
    %dma_wait3A_68 = tpu.memref_slice %arg8[%dma_wait3A_65, %dma_wait3A_66, %dma_wait3A_67] : memref<2x8x128xi32, #tpu.memory_space<vmem>> -> memref<1x8x128xi32, #tpu.memory_space<vmem>>
    %dma_wait3A_69 = tpu.memref_squeeze %dma_wait3A_68 : memref<1x8x128xi32, #tpu.memory_space<vmem>> -> memref<8x128xi32, #tpu.memory_space<vmem>>
    %dma_wait3A_70 = arith.constant 0 : i32
    %dma_wait3A_71 = tpu.memref_slice %arg4[%add3A_52, %dma_wait3A_70] : memref<2560x128xi32, #tpu.memory_space<hbm>> -> memref<8x128xi32, #tpu.memory_space<hbm>>
    %dma_wait3A_72 = arith.constant 0 : i32
    %dma_wait3A_73 = arith.constant 0 : i32
    %dma_wait3A_74 = tpu.memref_slice %arg8[%dma_wait3A_65, %dma_wait3A_72, %dma_wait3A_73] : memref<2x8x128xi32, #tpu.memory_space<vmem>> -> memref<1x8x128xi32, #tpu.memory_space<vmem>>
    %dma_wait3A_75 = tpu.memref_squeeze %dma_wait3A_74 : memref<1x8x128xi32, #tpu.memory_space<vmem>> -> memref<8x128xi32, #tpu.memory_space<vmem>>
    %dma_wait3A_76 = arith.constant 0 : i32
    %dma_wait3A_77 = tpu.memref_slice %arg4[%add3A_52, %dma_wait3A_76] : memref<2560x128xi32, #tpu.memory_space<hbm>> -> memref<8x128xi32, #tpu.memory_space<hbm>>
    tpu.wait_dma2 semaphore(%arg12 : memref<!tpu.dma_semaphore, #tpu.memory_space<semaphore_mem>>) src(%dma_wait3A_77 : memref<8x128xi32, #tpu.memory_space<hbm>>) dst(%dma_wait3A_75 : memref<8x128xi32, #tpu.memory_space<vmem>>)
    %dma_start3A_78 = arith.constant 0 : i32
    %dma_start3A_79 = arith.constant 0 : i32
    %dma_start3A_80 = arith.constant 0 : i32
    %dma_start3A_81 = arith.constant 0 : i32
    %dma_start3A_82 = arith.constant 0 : i32
    %dma_start3A_83 = tpu.memref_slice %arg9[%dma_start3A_80, %dma_start3A_81, %dma_start3A_82] : memref<2x128x128xf32, #tpu.memory_space<vmem>> -> memref<1x128x128xf32, #tpu.memory_space<vmem>>
    %dma_start3A_84 = tpu.memref_squeeze %dma_start3A_83 : memref<1x128x128xf32, #tpu.memory_space<vmem>> -> memref<128x128xf32, #tpu.memory_space<vmem>>
    %dma_start3A_85 = arith.constant 0 : i32
    %dma_start3A_86 = tpu.memref_slice %arg7[%dma_start3A_78, %dma_start3A_79, %dma_start3A_85] : memref<2x8x128xi32, #tpu.memory_space<vmem>> -> memref<1x1x128xi32, #tpu.memory_space<vmem>>
    %dma_start3A_87 = tpu.memref_squeeze %dma_start3A_86 : memref<1x1x128xi32, #tpu.memory_space<vmem>> -> memref<128xi32, #tpu.memory_space<vmem>>
    %dma_start3A_88 = arith.constant 0 : i32
    %dma_start3A_89 = arith.constant 0 : i32
    %dma_start3A_90 = tpu.memref_slice %arg2[%dma_start3A_88, %dma_start3A_89] : memref<10000x128xf32, #tpu.memory_space<hbm>> -> memref<10000x128xf32, #tpu.memory_space<hbm>>
    tpu.enqueue_indirect_dma source(%dma_start3A_90 : memref<10000x128xf32, #tpu.memory_space<hbm>>) target(%dma_start3A_84 : memref<128x128xf32, #tpu.memory_space<vmem>>) offsets(%dma_start3A_87 : memref<128xi32, #tpu.memory_space<vmem>>) semaphore(%arg10 : memref<!tpu.dma_semaphore, #tpu.memory_space<semaphore_mem>>)
    %add3A_91 = arith.constant 8 : i32
    %add3A_92 = arith.addi %mul3A_23, %add3A_91 : i32
    %dma_start3A_93 = arith.constant 1 : i32
    %dma_start3A_94 = arith.constant 0 : i32
    %dma_start3A_95 = arith.constant 0 : i32
    %dma_start3A_96 = tpu.memref_slice %arg7[%dma_start3A_93, %dma_start3A_94, %dma_start3A_95] : memref<2x8x128xi32, #tpu.memory_space<vmem>> -> memref<1x8x128xi32, #tpu.memory_space<vmem>>
    %dma_start3A_97 = tpu.memref_squeeze %dma_start3A_96 : memref<1x8x128xi32, #tpu.memory_space<vmem>> -> memref<8x128xi32, #tpu.memory_space<vmem>>
    %dma_start3A_98 = arith.constant 0 : i32
    %dma_start3A_99 = tpu.memref_slice %arg3[%add3A_92, %dma_start3A_98] : memref<2560x128xi32, #tpu.memory_space<hbm>> -> memref<8x128xi32, #tpu.memory_space<hbm>>
    %dma_start3A_100 = arith.constant 0 : i32
    %dma_start3A_101 = arith.constant 0 : i32
    %dma_start3A_102 = tpu.memref_slice %arg7[%dma_start3A_93, %dma_start3A_100, %dma_start3A_101] : memref<2x8x128xi32, #tpu.memory_space<vmem>> -> memref<1x8x128xi32, #tpu.memory_space<vmem>>
    %dma_start3A_103 = tpu.memref_squeeze %dma_start3A_102 : memref<1x8x128xi32, #tpu.memory_space<vmem>> -> memref<8x128xi32, #tpu.memory_space<vmem>>
    %dma_start3A_104 = arith.constant 0 : i32
    %dma_start3A_105 = tpu.memref_slice %arg3[%add3A_92, %dma_start3A_104] : memref<2560x128xi32, #tpu.memory_space<hbm>> -> memref<8x128xi32, #tpu.memory_space<hbm>>
    tpu.enqueue_dma source(%dma_start3A_105 : memref<8x128xi32, #tpu.memory_space<hbm>>) target(%dma_start3A_103 : memref<8x128xi32, #tpu.memory_space<vmem>>) target_semaphore(%arg13 : memref<!tpu.dma_semaphore, #tpu.memory_space<semaphore_mem>>)
    %dma_start3A_106 = arith.constant 1 : i32
    %dma_start3A_107 = arith.constant 0 : i32
    %dma_start3A_108 = arith.constant 0 : i32
    %dma_start3A_109 = tpu.memref_slice %arg8[%dma_start3A_106, %dma_start3A_107, %dma_start3A_108] : memref<2x8x128xi32, #tpu.memory_space<vmem>> -> memref<1x8x128xi32, #tpu.memory_space<vmem>>
    %dma_start3A_110 = tpu.memref_squeeze %dma_start3A_109 : memref<1x8x128xi32, #tpu.memory_space<vmem>> -> memref<8x128xi32, #tpu.memory_space<vmem>>
    %dma_start3A_111 = arith.constant 0 : i32
    %dma_start3A_112 = tpu.memref_slice %arg4[%add3A_92, %dma_start3A_111] : memref<2560x128xi32, #tpu.memory_space<hbm>> -> memref<8x128xi32, #tpu.memory_space<hbm>>
    %dma_start3A_113 = arith.constant 0 : i32
    %dma_start3A_114 = arith.constant 0 : i32
    %dma_start3A_115 = tpu.memref_slice %arg8[%dma_start3A_106, %dma_start3A_113, %dma_start3A_114] : memref<2x8x128xi32, #tpu.memory_space<vmem>> -> memref<1x8x128xi32, #tpu.memory_space<vmem>>
    %dma_start3A_116 = tpu.memref_squeeze %dma_start3A_115 : memref<1x8x128xi32, #tpu.memory_space<vmem>> -> memref<8x128xi32, #tpu.memory_space<vmem>>
    %dma_start3A_117 = arith.constant 0 : i32
    %dma_start3A_118 = tpu.memref_slice %arg4[%add3A_92, %dma_start3A_117] : memref<2560x128xi32, #tpu.memory_space<hbm>> -> memref<8x128xi32, #tpu.memory_space<hbm>>
    tpu.enqueue_dma source(%dma_start3A_118 : memref<8x128xi32, #tpu.memory_space<hbm>>) target(%dma_start3A_116 : memref<8x128xi32, #tpu.memory_space<vmem>>) target_semaphore(%arg13 : memref<!tpu.dma_semaphore, #tpu.memory_space<semaphore_mem>>)
    %barrier3A = arith.constant 0 : index
    tpu.barrier barrier_id(%barrier3A)
    %scan3A_119 = arith.constant 0 : i32
    %scan3A_120 = arith.constant 5 : i32
    %scan3A_121 = arith.addi %scan3A_119, %scan3A_120 : i32
    %scan3A_122 = arith.constant 1 : i32
    scf.for %scan3A_125 = %scan3A_119 to %scan3A_121 step %scan3A_122  : i32 {
      %mul3A_126 = arith.constant 2 : i32
      %mul3A_127 = arith.muli %scan3A_125, %mul3A_126 : i32
      %add3A_128 = arith.constant 0 : i32
      %add3A_129 = arith.addi %add3A_128, %mul3A_127 : i32
      %add3A_130 = arith.constant 0 : i32
      %add3A_131 = arith.addi %add3A_129, %add3A_130 : i32
      %gt3A = arith.constant 0 : i32
      %gt3A_132 = arith.cmpi sgt, %add3A_131, %gt3A : i32
      %convert_element_type3A = arith.extui %gt3A_132 : i1 to i32
      %cond3A = arith.constant 0 : i32
      %cond3A_133 = arith.cmpi ne, %convert_element_type3A, %cond3A : i32
      scf.if %cond3A_133 {
        %mul3A_164 = arith.constant 8 : i32
        %mul3A_165 = arith.muli %add3A_131, %mul3A_164 : i32
        %add3A_166 = arith.addi %mul3A_23, %mul3A_165 : i32
        %dma_wait3A_167 = arith.constant 0 : i32
        %dma_wait3A_168 = arith.constant 0 : i32
        %dma_wait3A_169 = arith.constant 0 : i32
        %dma_wait3A_170 = tpu.memref_slice %arg7[%dma_wait3A_167, %dma_wait3A_168, %dma_wait3A_169] : memref<2x8x128xi32, #tpu.memory_space<vmem>> -> memref<1x8x128xi32, #tpu.memory_space<vmem>>
        %dma_wait3A_171 = tpu.memref_squeeze %dma_wait3A_170 : memref<1x8x128xi32, #tpu.memory_space<vmem>> -> memref<8x128xi32, #tpu.memory_space<vmem>>
        %dma_wait3A_172 = arith.constant 0 : i32
        %dma_wait3A_173 = tpu.memref_slice %arg3[%add3A_166, %dma_wait3A_172] : memref<2560x128xi32, #tpu.memory_space<hbm>> -> memref<8x128xi32, #tpu.memory_space<hbm>>
        %dma_wait3A_174 = arith.constant 0 : i32
        %dma_wait3A_175 = arith.constant 0 : i32
        %dma_wait3A_176 = tpu.memref_slice %arg7[%dma_wait3A_167, %dma_wait3A_174, %dma_wait3A_175] : memref<2x8x128xi32, #tpu.memory_space<vmem>> -> memref<1x8x128xi32, #tpu.memory_space<vmem>>
        %dma_wait3A_177 = tpu.memref_squeeze %dma_wait3A_176 : memref<1x8x128xi32, #tpu.memory_space<vmem>> -> memref<8x128xi32, #tpu.memory_space<vmem>>
        %dma_wait3A_178 = arith.constant 0 : i32
        %dma_wait3A_179 = tpu.memref_slice %arg3[%add3A_166, %dma_wait3A_178] : memref<2560x128xi32, #tpu.memory_space<hbm>> -> memref<8x128xi32, #tpu.memory_space<hbm>>
        tpu.wait_dma2 semaphore(%arg12 : memref<!tpu.dma_semaphore, #tpu.memory_space<semaphore_mem>>) src(%dma_wait3A_179 : memref<8x128xi32, #tpu.memory_space<hbm>>) dst(%dma_wait3A_177 : memref<8x128xi32, #tpu.memory_space<vmem>>)
        %dma_wait3A_180 = arith.constant 0 : i32
        %dma_wait3A_181 = arith.constant 0 : i32
        %dma_wait3A_182 = arith.constant 0 : i32
        %dma_wait3A_183 = tpu.memref_slice %arg8[%dma_wait3A_180, %dma_wait3A_181, %dma_wait3A_182] : memref<2x8x128xi32, #tpu.memory_space<vmem>> -> memref<1x8x128xi32, #tpu.memory_space<vmem>>
        %dma_wait3A_184 = tpu.memref_squeeze %dma_wait3A_183 : memref<1x8x128xi32, #tpu.memory_space<vmem>> -> memref<8x128xi32, #tpu.memory_space<vmem>>
        %dma_wait3A_185 = arith.constant 0 : i32
        %dma_wait3A_186 = tpu.memref_slice %arg4[%add3A_166, %dma_wait3A_185] : memref<2560x128xi32, #tpu.memory_space<hbm>> -> memref<8x128xi32, #tpu.memory_space<hbm>>
        %dma_wait3A_187 = arith.constant 0 : i32
        %dma_wait3A_188 = arith.constant 0 : i32
        %dma_wait3A_189 = tpu.memref_slice %arg8[%dma_wait3A_180, %dma_wait3A_187, %dma_wait3A_188] : memref<2x8x128xi32, #tpu.memory_space<vmem>> -> memref<1x8x128xi32, #tpu.memory_space<vmem>>
        %dma_wait3A_190 = tpu.memref_squeeze %dma_wait3A_189 : memref<1x8x128xi32, #tpu.memory_space<vmem>> -> memref<8x128xi32, #tpu.memory_space<vmem>>
        %dma_wait3A_191 = arith.constant 0 : i32
        %dma_wait3A_192 = tpu.memref_slice %arg4[%add3A_166, %dma_wait3A_191] : memref<2560x128xi32, #tpu.memory_space<hbm>> -> memref<8x128xi32, #tpu.memory_space<hbm>>
        tpu.wait_dma2 semaphore(%arg12 : memref<!tpu.dma_semaphore, #tpu.memory_space<semaphore_mem>>) src(%dma_wait3A_192 : memref<8x128xi32, #tpu.memory_space<hbm>>) dst(%dma_wait3A_190 : memref<8x128xi32, #tpu.memory_space<vmem>>)
        %dma_start3A_193 = arith.constant 0 : i32
        %dma_start3A_194 = arith.constant 0 : i32
        %dma_start3A_195 = arith.constant 0 : i32
        %dma_start3A_196 = arith.constant 0 : i32
        %dma_start3A_197 = arith.constant 0 : i32
        %dma_start3A_198 = tpu.memref_slice %arg9[%dma_start3A_195, %dma_start3A_196, %dma_start3A_197] : memref<2x128x128xf32, #tpu.memory_space<vmem>> -> memref<1x128x128xf32, #tpu.memory_space<vmem>>
        %dma_start3A_199 = tpu.memref_squeeze %dma_start3A_198 : memref<1x128x128xf32, #tpu.memory_space<vmem>> -> memref<128x128xf32, #tpu.memory_space<vmem>>
        %dma_start3A_200 = arith.constant 0 : i32
        %dma_start3A_201 = tpu.memref_slice %arg7[%dma_start3A_193, %dma_start3A_194, %dma_start3A_200] : memref<2x8x128xi32, #tpu.memory_space<vmem>> -> memref<1x1x128xi32, #tpu.memory_space<vmem>>
        %dma_start3A_202 = tpu.memref_squeeze %dma_start3A_201 : memref<1x1x128xi32, #tpu.memory_space<vmem>> -> memref<128xi32, #tpu.memory_space<vmem>>
        %dma_start3A_203 = arith.constant 0 : i32
        %dma_start3A_204 = arith.constant 0 : i32
        %dma_start3A_205 = tpu.memref_slice %arg2[%dma_start3A_203, %dma_start3A_204] : memref<10000x128xf32, #tpu.memory_space<hbm>> -> memref<10000x128xf32, #tpu.memory_space<hbm>>
        tpu.enqueue_indirect_dma source(%dma_start3A_205 : memref<10000x128xf32, #tpu.memory_space<hbm>>) target(%dma_start3A_199 : memref<128x128xf32, #tpu.memory_space<vmem>>) offsets(%dma_start3A_202 : memref<128xi32, #tpu.memory_space<vmem>>) semaphore(%arg10 : memref<!tpu.dma_semaphore, #tpu.memory_space<semaphore_mem>>)
      } else {
      }
      %scan3A_134 = arith.constant 0 : i32
      %scan3A_135 = arith.constant 4 : i32
      %scan3A_136 = arith.addi %scan3A_134, %scan3A_135 : i32
      %scan3A_137 = arith.constant 1 : i32
      scf.for %scan3A_164 = %scan3A_134 to %scan3A_136 step %scan3A_137  : i32 {
        %mul3A_165 = arith.constant 2 : i32
        %mul3A_166 = arith.muli %scan3A_164, %mul3A_165 : i32
        %add3A_167 = arith.constant 0 : i32
        %add3A_168 = arith.addi %add3A_167, %mul3A_166 : i32
        %add3A_169 = arith.constant 0 : i32
        %add3A_170 = arith.addi %add3A_168, %add3A_169 : i32
        %add3A_171 = arith.constant 1 : i32
        %add3A_172 = arith.addi %add3A_170, %add3A_171 : i32
        %lt3A_173 = arith.constant 8 : i32
        %lt3A_174 = arith.cmpi slt, %add3A_172, %lt3A_173 : i32
        %convert_element_type3A_175 = arith.extui %lt3A_174 : i1 to i32
        %cond3A_176 = arith.constant 0 : i32
        %cond3A_177 = arith.cmpi ne, %convert_element_type3A_175, %cond3A_176 : i32
        scf.if %cond3A_177 {
          %add3A_215 = arith.constant 1 : i32
          %add3A_216 = arith.addi %add3A_170, %add3A_215 : i32
          %dma_start3A_217 = arith.constant 0 : i32
          %dma_start3A_218 = arith.constant 1 : i32
          %dma_start3A_219 = arith.constant 0 : i32
          %dma_start3A_220 = arith.constant 0 : i32
          %dma_start3A_221 = tpu.memref_slice %arg9[%dma_start3A_218, %dma_start3A_219, %dma_start3A_220] : memref<2x128x128xf32, #tpu.memory_space<vmem>> -> memref<1x128x128xf32, #tpu.memory_space<vmem>>
          %dma_start3A_222 = tpu.memref_squeeze %dma_start3A_221 : memref<1x128x128xf32, #tpu.memory_space<vmem>> -> memref<128x128xf32, #tpu.memory_space<vmem>>
          %dma_start3A_223 = arith.constant 0 : i32
          %dma_start3A_224 = tpu.memref_slice %arg7[%dma_start3A_217, %add3A_216, %dma_start3A_223] : memref<2x8x128xi32, #tpu.memory_space<vmem>> -> memref<1x1x128xi32, #tpu.memory_space<vmem>>
          %dma_start3A_225 = tpu.memref_squeeze %dma_start3A_224 : memref<1x1x128xi32, #tpu.memory_space<vmem>> -> memref<128xi32, #tpu.memory_space<vmem>>
          %dma_start3A_226 = arith.constant 0 : i32
          %dma_start3A_227 = arith.constant 0 : i32
          %dma_start3A_228 = tpu.memref_slice %arg2[%dma_start3A_226, %dma_start3A_227] : memref<10000x128xf32, #tpu.memory_space<hbm>> -> memref<10000x128xf32, #tpu.memory_space<hbm>>
          tpu.enqueue_indirect_dma source(%dma_start3A_228 : memref<10000x128xf32, #tpu.memory_space<hbm>>) target(%dma_start3A_222 : memref<128x128xf32, #tpu.memory_space<vmem>>) offsets(%dma_start3A_225 : memref<128xi32, #tpu.memory_space<vmem>>) semaphore(%arg11 : memref<!tpu.dma_semaphore, #tpu.memory_space<semaphore_mem>>)
        } else {
        }
        %dma_wait3A_178 = arith.constant 0 : i32
        %dma_wait3A_179 = arith.constant 0 : i32
        %dma_wait3A_180 = arith.constant 0 : i32
        %dma_wait3A_181 = arith.constant 0 : i32
        %dma_wait3A_182 = tpu.memref_slice %arg9[%dma_wait3A_179, %dma_wait3A_180, %dma_wait3A_181] : memref<2x128x128xf32, #tpu.memory_space<vmem>> -> memref<1x128x128xf32, #tpu.memory_space<vmem>>
        %dma_wait3A_183 = tpu.memref_squeeze %dma_wait3A_182 : memref<1x128x128xf32, #tpu.memory_space<vmem>> -> memref<128x128xf32, #tpu.memory_space<vmem>>
        %dma_wait3A_184 = arith.constant 0 : i32
        %dma_wait3A_185 = tpu.memref_slice %arg7[%dma_wait3A_178, %add3A_170, %dma_wait3A_184] : memref<2x8x128xi32, #tpu.memory_space<vmem>> -> memref<1x1x128xi32, #tpu.memory_space<vmem>>
        %dma_wait3A_186 = tpu.memref_squeeze %dma_wait3A_185 : memref<1x1x128xi32, #tpu.memory_space<vmem>> -> memref<128xi32, #tpu.memory_space<vmem>>
        %dma_wait3A_187 = arith.constant 0 : i32
        %dma_wait3A_188 = arith.constant 0 : i32
        %dma_wait3A_189 = tpu.memref_slice %arg2[%dma_wait3A_187, %dma_wait3A_188] : memref<10000x128xf32, #tpu.memory_space<hbm>> -> memref<10000x128xf32, #tpu.memory_space<hbm>>
        tpu.wait_indirect_dma semaphore(%arg10 : memref<!tpu.dma_semaphore, #tpu.memory_space<semaphore_mem>>) src(%dma_wait3A_189 : memref<10000x128xf32, #tpu.memory_space<hbm>>) dst(%dma_wait3A_183 : memref<128x128xf32, #tpu.memory_space<vmem>>)
        %run_scoped3A_190 = arith.constant 0 : i32
        %run_scoped3A_191 = arith.constant 0 : i32
        "tpu.region"() ({
          %run_scoped3A_215 = tpu.sem_alloc : memref<!tpu.dma_semaphore, #tpu.memory_space<semaphore_mem>>
          %dma_start3A_216 = arith.constant 0 : i32
          %dma_start3A_217 = arith.constant 0 : i32
          %dma_start3A_218 = tpu.memref_slice %arg9[%run_scoped3A_190, %dma_start3A_216, %dma_start3A_217] : memref<2x128x128xf32, #tpu.memory_space<vmem>> -> memref<1x128x128xf32, #tpu.memory_space<vmem>>
          %dma_start3A_219 = tpu.memref_squeeze %dma_start3A_218 : memref<1x128x128xf32, #tpu.memory_space<vmem>> -> memref<128x128xf32, #tpu.memory_space<vmem>>
          %dma_start3A_220 = arith.constant 0 : i32
          %dma_start3A_221 = tpu.memref_slice %arg8[%run_scoped3A_191, %add3A_170, %dma_start3A_220] : memref<2x8x128xi32, #tpu.memory_space<vmem>> -> memref<1x1x128xi32, #tpu.memory_space<vmem>>
          %dma_start3A_222 = tpu.memref_squeeze %dma_start3A_221 : memref<1x1x128xi32, #tpu.memory_space<vmem>> -> memref<128xi32, #tpu.memory_space<vmem>>
          %dma_start3A_223 = arith.constant 0 : i32
          %dma_start3A_224 = arith.constant 0 : i32
          %dma_start3A_225 = tpu.memref_slice %arg6[%dma_start3A_223, %dma_start3A_224] : memref<10112x128xf32, #tpu.memory_space<vmem_shared>> -> memref<10112x128xf32, #tpu.memory_space<vmem_shared>>
          tpu.enqueue_indirect_dma source(%dma_start3A_219 : memref<128x128xf32, #tpu.memory_space<vmem>>) target(%dma_start3A_225 : memref<10112x128xf32, #tpu.memory_space<vmem_shared>>) offsets(%dma_start3A_222 : memref<128xi32, #tpu.memory_space<vmem>>) semaphore(%run_scoped3A_215 : memref<!tpu.dma_semaphore, #tpu.memory_space<semaphore_mem>>) {add = true}
          %dma_wait3A_226 = arith.constant 0 : i32
          %dma_wait3A_227 = arith.constant 0 : i32
          %dma_wait3A_228 = tpu.memref_slice %arg9[%run_scoped3A_190, %dma_wait3A_226, %dma_wait3A_227] : memref<2x128x128xf32, #tpu.memory_space<vmem>> -> memref<1x128x128xf32, #tpu.memory_space<vmem>>
          %dma_wait3A_229 = tpu.memref_squeeze %dma_wait3A_228 : memref<1x128x128xf32, #tpu.memory_space<vmem>> -> memref<128x128xf32, #tpu.memory_space<vmem>>
          %dma_wait3A_230 = arith.constant 0 : i32
          %dma_wait3A_231 = tpu.memref_slice %arg8[%run_scoped3A_191, %add3A_170, %dma_wait3A_230] : memref<2x8x128xi32, #tpu.memory_space<vmem>> -> memref<1x1x128xi32, #tpu.memory_space<vmem>>
          %dma_wait3A_232 = tpu.memref_squeeze %dma_wait3A_231 : memref<1x1x128xi32, #tpu.memory_space<vmem>> -> memref<128xi32, #tpu.memory_space<vmem>>
          %dma_wait3A_233 = arith.constant 0 : i32
          %dma_wait3A_234 = arith.constant 0 : i32
          %dma_wait3A_235 = tpu.memref_slice %arg6[%dma_wait3A_233, %dma_wait3A_234] : memref<10112x128xf32, #tpu.memory_space<vmem_shared>> -> memref<10112x128xf32, #tpu.memory_space<vmem_shared>>
          tpu.wait_indirect_dma semaphore(%run_scoped3A_215 : memref<!tpu.dma_semaphore, #tpu.memory_space<semaphore_mem>>) src(%dma_wait3A_229 : memref<128x128xf32, #tpu.memory_space<vmem>>) dst(%dma_wait3A_235 : memref<10112x128xf32, #tpu.memory_space<vmem_shared>>)
          tpu.yield
        }) : () -> ()
        %add3A_192 = arith.constant 1 : i32
        %add3A_193 = arith.addi %add3A_168, %add3A_192 : i32
        %add3A_194 = arith.constant 1 : i32
        %add3A_195 = arith.addi %add3A_193, %add3A_194 : i32
        %lt3A_196 = arith.constant 8 : i32
        %lt3A_197 = arith.cmpi slt, %add3A_195, %lt3A_196 : i32
        %convert_element_type3A_198 = arith.extui %lt3A_197 : i1 to i32
        %cond3A_199 = arith.constant 0 : i32
        %cond3A_200 = arith.cmpi ne, %convert_element_type3A_198, %cond3A_199 : i32
        scf.if %cond3A_200 {
          %add3A_215 = arith.constant 1 : i32
          %add3A_216 = arith.addi %add3A_193, %add3A_215 : i32
          %dma_start3A_217 = arith.constant 0 : i32
          %dma_start3A_218 = arith.constant 0 : i32
          %dma_start3A_219 = arith.constant 0 : i32
          %dma_start3A_220 = arith.constant 0 : i32
          %dma_start3A_221 = tpu.memref_slice %arg9[%dma_start3A_218, %dma_start3A_219, %dma_start3A_220] : memref<2x128x128xf32, #tpu.memory_space<vmem>> -> memref<1x128x128xf32, #tpu.memory_space<vmem>>
          %dma_start3A_222 = tpu.memref_squeeze %dma_start3A_221 : memref<1x128x128xf32, #tpu.memory_space<vmem>> -> memref<128x128xf32, #tpu.memory_space<vmem>>
          %dma_start3A_223 = arith.constant 0 : i32
          %dma_start3A_224 = tpu.memref_slice %arg7[%dma_start3A_217, %add3A_216, %dma_start3A_223] : memref<2x8x128xi32, #tpu.memory_space<vmem>> -> memref<1x1x128xi32, #tpu.memory_space<vmem>>
          %dma_start3A_225 = tpu.memref_squeeze %dma_start3A_224 : memref<1x1x128xi32, #tpu.memory_space<vmem>> -> memref<128xi32, #tpu.memory_space<vmem>>
          %dma_start3A_226 = arith.constant 0 : i32
          %dma_start3A_227 = arith.constant 0 : i32
          %dma_start3A_228 = tpu.memref_slice %arg2[%dma_start3A_226, %dma_start3A_227] : memref<10000x128xf32, #tpu.memory_space<hbm>> -> memref<10000x128xf32, #tpu.memory_space<hbm>>
          tpu.enqueue_indirect_dma source(%dma_start3A_228 : memref<10000x128xf32, #tpu.memory_space<hbm>>) target(%dma_start3A_222 : memref<128x128xf32, #tpu.memory_space<vmem>>) offsets(%dma_start3A_225 : memref<128xi32, #tpu.memory_space<vmem>>) semaphore(%arg10 : memref<!tpu.dma_semaphore, #tpu.memory_space<semaphore_mem>>)
        } else {
        }
        %dma_wait3A_201 = arith.constant 0 : i32
        %dma_wait3A_202 = arith.constant 1 : i32
        %dma_wait3A_203 = arith.constant 0 : i32
        %dma_wait3A_204 = arith.constant 0 : i32
        %dma_wait3A_205 = tpu.memref_slice %arg9[%dma_wait3A_202, %dma_wait3A_203, %dma_wait3A_204] : memref<2x128x128xf32, #tpu.memory_space<vmem>> -> memref<1x128x128xf32, #tpu.memory_space<vmem>>
        %dma_wait3A_206 = tpu.memref_squeeze %dma_wait3A_205 : memref<1x128x128xf32, #tpu.memory_space<vmem>> -> memref<128x128xf32, #tpu.memory_space<vmem>>
        %dma_wait3A_207 = arith.constant 0 : i32
        %dma_wait3A_208 = tpu.memref_slice %arg7[%dma_wait3A_201, %add3A_193, %dma_wait3A_207] : memref<2x8x128xi32, #tpu.memory_space<vmem>> -> memref<1x1x128xi32, #tpu.memory_space<vmem>>
        %dma_wait3A_209 = tpu.memref_squeeze %dma_wait3A_208 : memref<1x1x128xi32, #tpu.memory_space<vmem>> -> memref<128xi32, #tpu.memory_space<vmem>>
        %dma_wait3A_210 = arith.constant 0 : i32
        %dma_wait3A_211 = arith.constant 0 : i32
        %dma_wait3A_212 = tpu.memref_slice %arg2[%dma_wait3A_210, %dma_wait3A_211] : memref<10000x128xf32, #tpu.memory_space<hbm>> -> memref<10000x128xf32, #tpu.memory_space<hbm>>
        tpu.wait_indirect_dma semaphore(%arg11 : memref<!tpu.dma_semaphore, #tpu.memory_space<semaphore_mem>>) src(%dma_wait3A_212 : memref<10000x128xf32, #tpu.memory_space<hbm>>) dst(%dma_wait3A_206 : memref<128x128xf32, #tpu.memory_space<vmem>>)
        %run_scoped3A_213 = arith.constant 1 : i32
        %run_scoped3A_214 = arith.constant 0 : i32
        "tpu.region"() ({
          %run_scoped3A_215 = tpu.sem_alloc : memref<!tpu.dma_semaphore, #tpu.memory_space<semaphore_mem>>
          %dma_start3A_216 = arith.constant 0 : i32
          %dma_start3A_217 = arith.constant 0 : i32
          %dma_start3A_218 = tpu.memref_slice %arg9[%run_scoped3A_213, %dma_start3A_216, %dma_start3A_217] : memref<2x128x128xf32, #tpu.memory_space<vmem>> -> memref<1x128x128xf32, #tpu.memory_space<vmem>>
          %dma_start3A_219 = tpu.memref_squeeze %dma_start3A_218 : memref<1x128x128xf32, #tpu.memory_space<vmem>> -> memref<128x128xf32, #tpu.memory_space<vmem>>
          %dma_start3A_220 = arith.constant 0 : i32
          %dma_start3A_221 = tpu.memref_slice %arg8[%run_scoped3A_214, %add3A_193, %dma_start3A_220] : memref<2x8x128xi32, #tpu.memory_space<vmem>> -> memref<1x1x128xi32, #tpu.memory_space<vmem>>
          %dma_start3A_222 = tpu.memref_squeeze %dma_start3A_221 : memref<1x1x128xi32, #tpu.memory_space<vmem>> -> memref<128xi32, #tpu.memory_space<vmem>>
          %dma_start3A_223 = arith.constant 0 : i32
          %dma_start3A_224 = arith.constant 0 : i32
          %dma_start3A_225 = tpu.memref_slice %arg6[%dma_start3A_223, %dma_start3A_224] : memref<10112x128xf32, #tpu.memory_space<vmem_shared>> -> memref<10112x128xf32, #tpu.memory_space<vmem_shared>>
          tpu.enqueue_indirect_dma source(%dma_start3A_219 : memref<128x128xf32, #tpu.memory_space<vmem>>) target(%dma_start3A_225 : memref<10112x128xf32, #tpu.memory_space<vmem_shared>>) offsets(%dma_start3A_222 : memref<128xi32, #tpu.memory_space<vmem>>) semaphore(%run_scoped3A_215 : memref<!tpu.dma_semaphore, #tpu.memory_space<semaphore_mem>>) {add = true}
          %dma_wait3A_226 = arith.constant 0 : i32
          %dma_wait3A_227 = arith.constant 0 : i32
          %dma_wait3A_228 = tpu.memref_slice %arg9[%run_scoped3A_213, %dma_wait3A_226, %dma_wait3A_227] : memref<2x128x128xf32, #tpu.memory_space<vmem>> -> memref<1x128x128xf32, #tpu.memory_space<vmem>>
          %dma_wait3A_229 = tpu.memref_squeeze %dma_wait3A_228 : memref<1x128x128xf32, #tpu.memory_space<vmem>> -> memref<128x128xf32, #tpu.memory_space<vmem>>
          %dma_wait3A_230 = arith.constant 0 : i32
          %dma_wait3A_231 = tpu.memref_slice %arg8[%run_scoped3A_214, %add3A_193, %dma_wait3A_230] : memref<2x8x128xi32, #tpu.memory_space<vmem>> -> memref<1x1x128xi32, #tpu.memory_space<vmem>>
          %dma_wait3A_232 = tpu.memref_squeeze %dma_wait3A_231 : memref<1x1x128xi32, #tpu.memory_space<vmem>> -> memref<128xi32, #tpu.memory_space<vmem>>
          %dma_wait3A_233 = arith.constant 0 : i32
          %dma_wait3A_234 = arith.constant 0 : i32
          %dma_wait3A_235 = tpu.memref_slice %arg6[%dma_wait3A_233, %dma_wait3A_234] : memref<10112x128xf32, #tpu.memory_space<vmem_shared>> -> memref<10112x128xf32, #tpu.memory_space<vmem_shared>>
          tpu.wait_indirect_dma semaphore(%run_scoped3A_215 : memref<!tpu.dma_semaphore, #tpu.memory_space<semaphore_mem>>) src(%dma_wait3A_229 : memref<128x128xf32, #tpu.memory_space<vmem>>) dst(%dma_wait3A_235 : memref<10112x128xf32, #tpu.memory_space<vmem_shared>>)
          tpu.yield
        }) : () -> ()
      }
      %scan3A_138 = arith.constant 4 : i32
      %add3A_139 = arith.constant 2 : i32
      %add3A_140 = arith.addi %add3A_131, %add3A_139 : i32
      %lt3A = arith.constant 10 : i32
      %lt3A_141 = arith.cmpi slt, %add3A_140, %lt3A : i32
      %convert_element_type3A_142 = arith.extui %lt3A_141 : i1 to i32
      %cond3A_143 = arith.constant 0 : i32
      %cond3A_144 = arith.cmpi ne, %convert_element_type3A_142, %cond3A_143 : i32
      scf.if %cond3A_144 {
        %add3A_164 = arith.constant 2 : i32
        %add3A_165 = arith.addi %add3A_131, %add3A_164 : i32
        %mul3A_166 = arith.constant 8 : i32
        %mul3A_167 = arith.muli %add3A_165, %mul3A_166 : i32
        %add3A_168 = arith.addi %mul3A_23, %mul3A_167 : i32
        %dma_start3A_169 = arith.constant 0 : i32
        %dma_start3A_170 = arith.constant 0 : i32
        %dma_start3A_171 = arith.constant 0 : i32
        %dma_start3A_172 = tpu.memref_slice %arg7[%dma_start3A_169, %dma_start3A_170, %dma_start3A_171] : memref<2x8x128xi32, #tpu.memory_space<vmem>> -> memref<1x8x128xi32, #tpu.memory_space<vmem>>
        %dma_start3A_173 = tpu.memref_squeeze %dma_start3A_172 : memref<1x8x128xi32, #tpu.memory_space<vmem>> -> memref<8x128xi32, #tpu.memory_space<vmem>>
        %dma_start3A_174 = arith.constant 0 : i32
        %dma_start3A_175 = tpu.memref_slice %arg3[%add3A_168, %dma_start3A_174] : memref<2560x128xi32, #tpu.memory_space<hbm>> -> memref<8x128xi32, #tpu.memory_space<hbm>>
        %dma_start3A_176 = arith.constant 0 : i32
        %dma_start3A_177 = arith.constant 0 : i32
        %dma_start3A_178 = tpu.memref_slice %arg7[%dma_start3A_169, %dma_start3A_176, %dma_start3A_177] : memref<2x8x128xi32, #tpu.memory_space<vmem>> -> memref<1x8x128xi32, #tpu.memory_space<vmem>>
        %dma_start3A_179 = tpu.memref_squeeze %dma_start3A_178 : memref<1x8x128xi32, #tpu.memory_space<vmem>> -> memref<8x128xi32, #tpu.memory_space<vmem>>
        %dma_start3A_180 = arith.constant 0 : i32
        %dma_start3A_181 = tpu.memref_slice %arg3[%add3A_168, %dma_start3A_180] : memref<2560x128xi32, #tpu.memory_space<hbm>> -> memref<8x128xi32, #tpu.memory_space<hbm>>
        tpu.enqueue_dma source(%dma_start3A_181 : memref<8x128xi32, #tpu.memory_space<hbm>>) target(%dma_start3A_179 : memref<8x128xi32, #tpu.memory_space<vmem>>) target_semaphore(%arg12 : memref<!tpu.dma_semaphore, #tpu.memory_space<semaphore_mem>>)
        %dma_start3A_182 = arith.constant 0 : i32
        %dma_start3A_183 = arith.constant 0 : i32
        %dma_start3A_184 = arith.constant 0 : i32
        %dma_start3A_185 = tpu.memref_slice %arg8[%dma_start3A_182, %dma_start3A_183, %dma_start3A_184] : memref<2x8x128xi32, #tpu.memory_space<vmem>> -> memref<1x8x128xi32, #tpu.memory_space<vmem>>
        %dma_start3A_186 = tpu.memref_squeeze %dma_start3A_185 : memref<1x8x128xi32, #tpu.memory_space<vmem>> -> memref<8x128xi32, #tpu.memory_space<vmem>>
        %dma_start3A_187 = arith.constant 0 : i32
        %dma_start3A_188 = tpu.memref_slice %arg4[%add3A_168, %dma_start3A_187] : memref<2560x128xi32, #tpu.memory_space<hbm>> -> memref<8x128xi32, #tpu.memory_space<hbm>>
        %dma_start3A_189 = arith.constant 0 : i32
        %dma_start3A_190 = arith.constant 0 : i32
        %dma_start3A_191 = tpu.memref_slice %arg8[%dma_start3A_182, %dma_start3A_189, %dma_start3A_190] : memref<2x8x128xi32, #tpu.memory_space<vmem>> -> memref<1x8x128xi32, #tpu.memory_space<vmem>>
        %dma_start3A_192 = tpu.memref_squeeze %dma_start3A_191 : memref<1x8x128xi32, #tpu.memory_space<vmem>> -> memref<8x128xi32, #tpu.memory_space<vmem>>
        %dma_start3A_193 = arith.constant 0 : i32
        %dma_start3A_194 = tpu.memref_slice %arg4[%add3A_168, %dma_start3A_193] : memref<2560x128xi32, #tpu.memory_space<hbm>> -> memref<8x128xi32, #tpu.memory_space<hbm>>
        tpu.enqueue_dma source(%dma_start3A_194 : memref<8x128xi32, #tpu.memory_space<hbm>>) target(%dma_start3A_192 : memref<8x128xi32, #tpu.memory_space<vmem>>) target_semaphore(%arg12 : memref<!tpu.dma_semaphore, #tpu.memory_space<semaphore_mem>>)
      } else {
      }
      %add3A_145 = arith.constant 1 : i32
      %add3A_146 = arith.addi %add3A_129, %add3A_145 : i32
      %gt3A_147 = arith.constant 0 : i32
      %gt3A_148 = arith.cmpi sgt, %add3A_146, %gt3A_147 : i32
      %convert_element_type3A_149 = arith.extui %gt3A_148 : i1 to i32
      %cond3A_150 = arith.constant 0 : i32
      %cond3A_151 = arith.cmpi ne, %convert_element_type3A_149, %cond3A_150 : i32
      scf.if %cond3A_151 {
        %mul3A_164 = arith.constant 8 : i32
        %mul3A_165 = arith.muli %add3A_146, %mul3A_164 : i32
        %add3A_166 = arith.addi %mul3A_23, %mul3A_165 : i32
        %dma_wait3A_167 = arith.constant 1 : i32
        %dma_wait3A_168 = arith.constant 0 : i32
        %dma_wait3A_169 = arith.constant 0 : i32
        %dma_wait3A_170 = tpu.memref_slice %arg7[%dma_wait3A_167, %dma_wait3A_168, %dma_wait3A_169] : memref<2x8x128xi32, #tpu.memory_space<vmem>> -> memref<1x8x128xi32, #tpu.memory_space<vmem>>
        %dma_wait3A_171 = tpu.memref_squeeze %dma_wait3A_170 : memref<1x8x128xi32, #tpu.memory_space<vmem>> -> memref<8x128xi32, #tpu.memory_space<vmem>>
        %dma_wait3A_172 = arith.constant 0 : i32
        %dma_wait3A_173 = tpu.memref_slice %arg3[%add3A_166, %dma_wait3A_172] : memref<2560x128xi32, #tpu.memory_space<hbm>> -> memref<8x128xi32, #tpu.memory_space<hbm>>
        %dma_wait3A_174 = arith.constant 0 : i32
        %dma_wait3A_175 = arith.constant 0 : i32
        %dma_wait3A_176 = tpu.memref_slice %arg7[%dma_wait3A_167, %dma_wait3A_174, %dma_wait3A_175] : memref<2x8x128xi32, #tpu.memory_space<vmem>> -> memref<1x8x128xi32, #tpu.memory_space<vmem>>
        %dma_wait3A_177 = tpu.memref_squeeze %dma_wait3A_176 : memref<1x8x128xi32, #tpu.memory_space<vmem>> -> memref<8x128xi32, #tpu.memory_space<vmem>>
        %dma_wait3A_178 = arith.constant 0 : i32
        %dma_wait3A_179 = tpu.memref_slice %arg3[%add3A_166, %dma_wait3A_178] : memref<2560x128xi32, #tpu.memory_space<hbm>> -> memref<8x128xi32, #tpu.memory_space<hbm>>
        tpu.wait_dma2 semaphore(%arg13 : memref<!tpu.dma_semaphore, #tpu.memory_space<semaphore_mem>>) src(%dma_wait3A_179 : memref<8x128xi32, #tpu.memory_space<hbm>>) dst(%dma_wait3A_177 : memref<8x128xi32, #tpu.memory_space<vmem>>)
        %dma_wait3A_180 = arith.constant 1 : i32
        %dma_wait3A_181 = arith.constant 0 : i32
        %dma_wait3A_182 = arith.constant 0 : i32
        %dma_wait3A_183 = tpu.memref_slice %arg8[%dma_wait3A_180, %dma_wait3A_181, %dma_wait3A_182] : memref<2x8x128xi32, #tpu.memory_space<vmem>> -> memref<1x8x128xi32, #tpu.memory_space<vmem>>
        %dma_wait3A_184 = tpu.memref_squeeze %dma_wait3A_183 : memref<1x8x128xi32, #tpu.memory_space<vmem>> -> memref<8x128xi32, #tpu.memory_space<vmem>>
        %dma_wait3A_185 = arith.constant 0 : i32
        %dma_wait3A_186 = tpu.memref_slice %arg4[%add3A_166, %dma_wait3A_185] : memref<2560x128xi32, #tpu.memory_space<hbm>> -> memref<8x128xi32, #tpu.memory_space<hbm>>
        %dma_wait3A_187 = arith.constant 0 : i32
        %dma_wait3A_188 = arith.constant 0 : i32
        %dma_wait3A_189 = tpu.memref_slice %arg8[%dma_wait3A_180, %dma_wait3A_187, %dma_wait3A_188] : memref<2x8x128xi32, #tpu.memory_space<vmem>> -> memref<1x8x128xi32, #tpu.memory_space<vmem>>
        %dma_wait3A_190 = tpu.memref_squeeze %dma_wait3A_189 : memref<1x8x128xi32, #tpu.memory_space<vmem>> -> memref<8x128xi32, #tpu.memory_space<vmem>>
        %dma_wait3A_191 = arith.constant 0 : i32
        %dma_wait3A_192 = tpu.memref_slice %arg4[%add3A_166, %dma_wait3A_191] : memref<2560x128xi32, #tpu.memory_space<hbm>> -> memref<8x128xi32, #tpu.memory_space<hbm>>
        tpu.wait_dma2 semaphore(%arg13 : memref<!tpu.dma_semaphore, #tpu.memory_space<semaphore_mem>>) src(%dma_wait3A_192 : memref<8x128xi32, #tpu.memory_space<hbm>>) dst(%dma_wait3A_190 : memref<8x128xi32, #tpu.memory_space<vmem>>)
        %dma_start3A_193 = arith.constant 1 : i32
        %dma_start3A_194 = arith.constant 0 : i32
        %dma_start3A_195 = arith.constant 0 : i32
        %dma_start3A_196 = arith.constant 0 : i32
        %dma_start3A_197 = arith.constant 0 : i32
        %dma_start3A_198 = tpu.memref_slice %arg9[%dma_start3A_195, %dma_start3A_196, %dma_start3A_197] : memref<2x128x128xf32, #tpu.memory_space<vmem>> -> memref<1x128x128xf32, #tpu.memory_space<vmem>>
        %dma_start3A_199 = tpu.memref_squeeze %dma_start3A_198 : memref<1x128x128xf32, #tpu.memory_space<vmem>> -> memref<128x128xf32, #tpu.memory_space<vmem>>
        %dma_start3A_200 = arith.constant 0 : i32
        %dma_start3A_201 = tpu.memref_slice %arg7[%dma_start3A_193, %dma_start3A_194, %dma_start3A_200] : memref<2x8x128xi32, #tpu.memory_space<vmem>> -> memref<1x1x128xi32, #tpu.memory_space<vmem>>
        %dma_start3A_202 = tpu.memref_squeeze %dma_start3A_201 : memref<1x1x128xi32, #tpu.memory_space<vmem>> -> memref<128xi32, #tpu.memory_space<vmem>>
        %dma_start3A_203 = arith.constant 0 : i32
        %dma_start3A_204 = arith.constant 0 : i32
        %dma_start3A_205 = tpu.memref_slice %arg2[%dma_start3A_203, %dma_start3A_204] : memref<10000x128xf32, #tpu.memory_space<hbm>> -> memref<10000x128xf32, #tpu.memory_space<hbm>>
        tpu.enqueue_indirect_dma source(%dma_start3A_205 : memref<10000x128xf32, #tpu.memory_space<hbm>>) target(%dma_start3A_199 : memref<128x128xf32, #tpu.memory_space<vmem>>) offsets(%dma_start3A_202 : memref<128xi32, #tpu.memory_space<vmem>>) semaphore(%arg10 : memref<!tpu.dma_semaphore, #tpu.memory_space<semaphore_mem>>)
      } else {
      }
      %scan3A_152 = arith.constant 0 : i32
      %scan3A_153 = arith.constant 4 : i32
      %scan3A_154 = arith.addi %scan3A_152, %scan3A_153 : i32
      %scan3A_155 = arith.constant 1 : i32
      scf.for %scan3A_164 = %scan3A_152 to %scan3A_154 step %scan3A_155  : i32 {
        %mul3A_165 = arith.constant 2 : i32
        %mul3A_166 = arith.muli %scan3A_164, %mul3A_165 : i32
        %add3A_167 = arith.constant 0 : i32
        %add3A_168 = arith.addi %add3A_167, %mul3A_166 : i32
        %add3A_169 = arith.constant 0 : i32
        %add3A_170 = arith.addi %add3A_168, %add3A_169 : i32
        %add3A_171 = arith.constant 1 : i32
        %add3A_172 = arith.addi %add3A_170, %add3A_171 : i32
        %lt3A_173 = arith.constant 8 : i32
        %lt3A_174 = arith.cmpi slt, %add3A_172, %lt3A_173 : i32
        %convert_element_type3A_175 = arith.extui %lt3A_174 : i1 to i32
        %cond3A_176 = arith.constant 0 : i32
        %cond3A_177 = arith.cmpi ne, %convert_element_type3A_175, %cond3A_176 : i32
        scf.if %cond3A_177 {
          %add3A_215 = arith.constant 1 : i32
          %add3A_216 = arith.addi %add3A_170, %add3A_215 : i32
          %dma_start3A_217 = arith.constant 1 : i32
          %dma_start3A_218 = arith.constant 1 : i32
          %dma_start3A_219 = arith.constant 0 : i32
          %dma_start3A_220 = arith.constant 0 : i32
          %dma_start3A_221 = tpu.memref_slice %arg9[%dma_start3A_218, %dma_start3A_219, %dma_start3A_220] : memref<2x128x128xf32, #tpu.memory_space<vmem>> -> memref<1x128x128xf32, #tpu.memory_space<vmem>>
          %dma_start3A_222 = tpu.memref_squeeze %dma_start3A_221 : memref<1x128x128xf32, #tpu.memory_space<vmem>> -> memref<128x128xf32, #tpu.memory_space<vmem>>
          %dma_start3A_223 = arith.constant 0 : i32
          %dma_start3A_224 = tpu.memref_slice %arg7[%dma_start3A_217, %add3A_216, %dma_start3A_223] : memref<2x8x128xi32, #tpu.memory_space<vmem>> -> memref<1x1x128xi32, #tpu.memory_space<vmem>>
          %dma_start3A_225 = tpu.memref_squeeze %dma_start3A_224 : memref<1x1x128xi32, #tpu.memory_space<vmem>> -> memref<128xi32, #tpu.memory_space<vmem>>
          %dma_start3A_226 = arith.constant 0 : i32
          %dma_start3A_227 = arith.constant 0 : i32
          %dma_start3A_228 = tpu.memref_slice %arg2[%dma_start3A_226, %dma_start3A_227] : memref<10000x128xf32, #tpu.memory_space<hbm>> -> memref<10000x128xf32, #tpu.memory_space<hbm>>
          tpu.enqueue_indirect_dma source(%dma_start3A_228 : memref<10000x128xf32, #tpu.memory_space<hbm>>) target(%dma_start3A_222 : memref<128x128xf32, #tpu.memory_space<vmem>>) offsets(%dma_start3A_225 : memref<128xi32, #tpu.memory_space<vmem>>) semaphore(%arg11 : memref<!tpu.dma_semaphore, #tpu.memory_space<semaphore_mem>>)
        } else {
        }
        %dma_wait3A_178 = arith.constant 1 : i32
        %dma_wait3A_179 = arith.constant 0 : i32
        %dma_wait3A_180 = arith.constant 0 : i32
        %dma_wait3A_181 = arith.constant 0 : i32
        %dma_wait3A_182 = tpu.memref_slice %arg9[%dma_wait3A_179, %dma_wait3A_180, %dma_wait3A_181] : memref<2x128x128xf32, #tpu.memory_space<vmem>> -> memref<1x128x128xf32, #tpu.memory_space<vmem>>
        %dma_wait3A_183 = tpu.memref_squeeze %dma_wait3A_182 : memref<1x128x128xf32, #tpu.memory_space<vmem>> -> memref<128x128xf32, #tpu.memory_space<vmem>>
        %dma_wait3A_184 = arith.constant 0 : i32
        %dma_wait3A_185 = tpu.memref_slice %arg7[%dma_wait3A_178, %add3A_170, %dma_wait3A_184] : memref<2x8x128xi32, #tpu.memory_space<vmem>> -> memref<1x1x128xi32, #tpu.memory_space<vmem>>
        %dma_wait3A_186 = tpu.memref_squeeze %dma_wait3A_185 : memref<1x1x128xi32, #tpu.memory_space<vmem>> -> memref<128xi32, #tpu.memory_space<vmem>>
        %dma_wait3A_187 = arith.constant 0 : i32
        %dma_wait3A_188 = arith.constant 0 : i32
        %dma_wait3A_189 = tpu.memref_slice %arg2[%dma_wait3A_187, %dma_wait3A_188] : memref<10000x128xf32, #tpu.memory_space<hbm>> -> memref<10000x128xf32, #tpu.memory_space<hbm>>
        tpu.wait_indirect_dma semaphore(%arg10 : memref<!tpu.dma_semaphore, #tpu.memory_space<semaphore_mem>>) src(%dma_wait3A_189 : memref<10000x128xf32, #tpu.memory_space<hbm>>) dst(%dma_wait3A_183 : memref<128x128xf32, #tpu.memory_space<vmem>>)
        %run_scoped3A_190 = arith.constant 0 : i32
        %run_scoped3A_191 = arith.constant 1 : i32
        "tpu.region"() ({
          %run_scoped3A_215 = tpu.sem_alloc : memref<!tpu.dma_semaphore, #tpu.memory_space<semaphore_mem>>
          %dma_start3A_216 = arith.constant 0 : i32
          %dma_start3A_217 = arith.constant 0 : i32
          %dma_start3A_218 = tpu.memref_slice %arg9[%run_scoped3A_190, %dma_start3A_216, %dma_start3A_217] : memref<2x128x128xf32, #tpu.memory_space<vmem>> -> memref<1x128x128xf32, #tpu.memory_space<vmem>>
          %dma_start3A_219 = tpu.memref_squeeze %dma_start3A_218 : memref<1x128x128xf32, #tpu.memory_space<vmem>> -> memref<128x128xf32, #tpu.memory_space<vmem>>
          %dma_start3A_220 = arith.constant 0 : i32
          %dma_start3A_221 = tpu.memref_slice %arg8[%run_scoped3A_191, %add3A_170, %dma_start3A_220] : memref<2x8x128xi32, #tpu.memory_space<vmem>> -> memref<1x1x128xi32, #tpu.memory_space<vmem>>
          %dma_start3A_222 = tpu.memref_squeeze %dma_start3A_221 : memref<1x1x128xi32, #tpu.memory_space<vmem>> -> memref<128xi32, #tpu.memory_space<vmem>>
          %dma_start3A_223 = arith.constant 0 : i32
          %dma_start3A_224 = arith.constant 0 : i32
          %dma_start3A_225 = tpu.memref_slice %arg6[%dma_start3A_223, %dma_start3A_224] : memref<10112x128xf32, #tpu.memory_space<vmem_shared>> -> memref<10112x128xf32, #tpu.memory_space<vmem_shared>>
          tpu.enqueue_indirect_dma source(%dma_start3A_219 : memref<128x128xf32, #tpu.memory_space<vmem>>) target(%dma_start3A_225 : memref<10112x128xf32, #tpu.memory_space<vmem_shared>>) offsets(%dma_start3A_222 : memref<128xi32, #tpu.memory_space<vmem>>) semaphore(%run_scoped3A_215 : memref<!tpu.dma_semaphore, #tpu.memory_space<semaphore_mem>>) {add = true}
          %dma_wait3A_226 = arith.constant 0 : i32
          %dma_wait3A_227 = arith.constant 0 : i32
          %dma_wait3A_228 = tpu.memref_slice %arg9[%run_scoped3A_190, %dma_wait3A_226, %dma_wait3A_227] : memref<2x128x128xf32, #tpu.memory_space<vmem>> -> memref<1x128x128xf32, #tpu.memory_space<vmem>>
          %dma_wait3A_229 = tpu.memref_squeeze %dma_wait3A_228 : memref<1x128x128xf32, #tpu.memory_space<vmem>> -> memref<128x128xf32, #tpu.memory_space<vmem>>
          %dma_wait3A_230 = arith.constant 0 : i32
          %dma_wait3A_231 = tpu.memref_slice %arg8[%run_scoped3A_191, %add3A_170, %dma_wait3A_230] : memref<2x8x128xi32, #tpu.memory_space<vmem>> -> memref<1x1x128xi32, #tpu.memory_space<vmem>>
          %dma_wait3A_232 = tpu.memref_squeeze %dma_wait3A_231 : memref<1x1x128xi32, #tpu.memory_space<vmem>> -> memref<128xi32, #tpu.memory_space<vmem>>
          %dma_wait3A_233 = arith.constant 0 : i32
          %dma_wait3A_234 = arith.constant 0 : i32
          %dma_wait3A_235 = tpu.memref_slice %arg6[%dma_wait3A_233, %dma_wait3A_234] : memref<10112x128xf32, #tpu.memory_space<vmem_shared>> -> memref<10112x128xf32, #tpu.memory_space<vmem_shared>>
          tpu.wait_indirect_dma semaphore(%run_scoped3A_215 : memref<!tpu.dma_semaphore, #tpu.memory_space<semaphore_mem>>) src(%dma_wait3A_229 : memref<128x128xf32, #tpu.memory_space<vmem>>) dst(%dma_wait3A_235 : memref<10112x128xf32, #tpu.memory_space<vmem_shared>>)
          tpu.yield
        }) : () -> ()
        %add3A_192 = arith.constant 1 : i32
        %add3A_193 = arith.addi %add3A_168, %add3A_192 : i32
        %add3A_194 = arith.constant 1 : i32
        %add3A_195 = arith.addi %add3A_193, %add3A_194 : i32
        %lt3A_196 = arith.constant 8 : i32
        %lt3A_197 = arith.cmpi slt, %add3A_195, %lt3A_196 : i32
        %convert_element_type3A_198 = arith.extui %lt3A_197 : i1 to i32
        %cond3A_199 = arith.constant 0 : i32
        %cond3A_200 = arith.cmpi ne, %convert_element_type3A_198, %cond3A_199 : i32
        scf.if %cond3A_200 {
          %add3A_215 = arith.constant 1 : i32
          %add3A_216 = arith.addi %add3A_193, %add3A_215 : i32
          %dma_start3A_217 = arith.constant 1 : i32
          %dma_start3A_218 = arith.constant 0 : i32
          %dma_start3A_219 = arith.constant 0 : i32
          %dma_start3A_220 = arith.constant 0 : i32
          %dma_start3A_221 = tpu.memref_slice %arg9[%dma_start3A_218, %dma_start3A_219, %dma_start3A_220] : memref<2x128x128xf32, #tpu.memory_space<vmem>> -> memref<1x128x128xf32, #tpu.memory_space<vmem>>
          %dma_start3A_222 = tpu.memref_squeeze %dma_start3A_221 : memref<1x128x128xf32, #tpu.memory_space<vmem>> -> memref<128x128xf32, #tpu.memory_space<vmem>>
          %dma_start3A_223 = arith.constant 0 : i32
          %dma_start3A_224 = tpu.memref_slice %arg7[%dma_start3A_217, %add3A_216, %dma_start3A_223] : memref<2x8x128xi32, #tpu.memory_space<vmem>> -> memref<1x1x128xi32, #tpu.memory_space<vmem>>
          %dma_start3A_225 = tpu.memref_squeeze %dma_start3A_224 : memref<1x1x128xi32, #tpu.memory_space<vmem>> -> memref<128xi32, #tpu.memory_space<vmem>>
          %dma_start3A_226 = arith.constant 0 : i32
          %dma_start3A_227 = arith.constant 0 : i32
          %dma_start3A_228 = tpu.memref_slice %arg2[%dma_start3A_226, %dma_start3A_227] : memref<10000x128xf32, #tpu.memory_space<hbm>> -> memref<10000x128xf32, #tpu.memory_space<hbm>>
          tpu.enqueue_indirect_dma source(%dma_start3A_228 : memref<10000x128xf32, #tpu.memory_space<hbm>>) target(%dma_start3A_222 : memref<128x128xf32, #tpu.memory_space<vmem>>) offsets(%dma_start3A_225 : memref<128xi32, #tpu.memory_space<vmem>>) semaphore(%arg10 : memref<!tpu.dma_semaphore, #tpu.memory_space<semaphore_mem>>)
        } else {
        }
        %dma_wait3A_201 = arith.constant 1 : i32
        %dma_wait3A_202 = arith.constant 1 : i32
        %dma_wait3A_203 = arith.constant 0 : i32
        %dma_wait3A_204 = arith.constant 0 : i32
        %dma_wait3A_205 = tpu.memref_slice %arg9[%dma_wait3A_202, %dma_wait3A_203, %dma_wait3A_204] : memref<2x128x128xf32, #tpu.memory_space<vmem>> -> memref<1x128x128xf32, #tpu.memory_space<vmem>>
        %dma_wait3A_206 = tpu.memref_squeeze %dma_wait3A_205 : memref<1x128x128xf32, #tpu.memory_space<vmem>> -> memref<128x128xf32, #tpu.memory_space<vmem>>
        %dma_wait3A_207 = arith.constant 0 : i32
        %dma_wait3A_208 = tpu.memref_slice %arg7[%dma_wait3A_201, %add3A_193, %dma_wait3A_207] : memref<2x8x128xi32, #tpu.memory_space<vmem>> -> memref<1x1x128xi32, #tpu.memory_space<vmem>>
        %dma_wait3A_209 = tpu.memref_squeeze %dma_wait3A_208 : memref<1x1x128xi32, #tpu.memory_space<vmem>> -> memref<128xi32, #tpu.memory_space<vmem>>
        %dma_wait3A_210 = arith.constant 0 : i32
        %dma_wait3A_211 = arith.constant 0 : i32
        %dma_wait3A_212 = tpu.memref_slice %arg2[%dma_wait3A_210, %dma_wait3A_211] : memref<10000x128xf32, #tpu.memory_space<hbm>> -> memref<10000x128xf32, #tpu.memory_space<hbm>>
        tpu.wait_indirect_dma semaphore(%arg11 : memref<!tpu.dma_semaphore, #tpu.memory_space<semaphore_mem>>) src(%dma_wait3A_212 : memref<10000x128xf32, #tpu.memory_space<hbm>>) dst(%dma_wait3A_206 : memref<128x128xf32, #tpu.memory_space<vmem>>)
        %run_scoped3A_213 = arith.constant 1 : i32
        %run_scoped3A_214 = arith.constant 1 : i32
        "tpu.region"() ({
          %run_scoped3A_215 = tpu.sem_alloc : memref<!tpu.dma_semaphore, #tpu.memory_space<semaphore_mem>>
          %dma_start3A_216 = arith.constant 0 : i32
          %dma_start3A_217 = arith.constant 0 : i32
          %dma_start3A_218 = tpu.memref_slice %arg9[%run_scoped3A_213, %dma_start3A_216, %dma_start3A_217] : memref<2x128x128xf32, #tpu.memory_space<vmem>> -> memref<1x128x128xf32, #tpu.memory_space<vmem>>
          %dma_start3A_219 = tpu.memref_squeeze %dma_start3A_218 : memref<1x128x128xf32, #tpu.memory_space<vmem>> -> memref<128x128xf32, #tpu.memory_space<vmem>>
          %dma_start3A_220 = arith.constant 0 : i32
          %dma_start3A_221 = tpu.memref_slice %arg8[%run_scoped3A_214, %add3A_193, %dma_start3A_220] : memref<2x8x128xi32, #tpu.memory_space<vmem>> -> memref<1x1x128xi32, #tpu.memory_space<vmem>>
          %dma_start3A_222 = tpu.memref_squeeze %dma_start3A_221 : memref<1x1x128xi32, #tpu.memory_space<vmem>> -> memref<128xi32, #tpu.memory_space<vmem>>
          %dma_start3A_223 = arith.constant 0 : i32
          %dma_start3A_224 = arith.constant 0 : i32
          %dma_start3A_225 = tpu.memref_slice %arg6[%dma_start3A_223, %dma_start3A_224] : memref<10112x128xf32, #tpu.memory_space<vmem_shared>> -> memref<10112x128xf32, #tpu.memory_space<vmem_shared>>
          tpu.enqueue_indirect_dma source(%dma_start3A_219 : memref<128x128xf32, #tpu.memory_space<vmem>>) target(%dma_start3A_225 : memref<10112x128xf32, #tpu.memory_space<vmem_shared>>) offsets(%dma_start3A_222 : memref<128xi32, #tpu.memory_space<vmem>>) semaphore(%run_scoped3A_215 : memref<!tpu.dma_semaphore, #tpu.memory_space<semaphore_mem>>) {add = true}
          %dma_wait3A_226 = arith.constant 0 : i32
          %dma_wait3A_227 = arith.constant 0 : i32
          %dma_wait3A_228 = tpu.memref_slice %arg9[%run_scoped3A_213, %dma_wait3A_226, %dma_wait3A_227] : memref<2x128x128xf32, #tpu.memory_space<vmem>> -> memref<1x128x128xf32, #tpu.memory_space<vmem>>
          %dma_wait3A_229 = tpu.memref_squeeze %dma_wait3A_228 : memref<1x128x128xf32, #tpu.memory_space<vmem>> -> memref<128x128xf32, #tpu.memory_space<vmem>>
          %dma_wait3A_230 = arith.constant 0 : i32
          %dma_wait3A_231 = tpu.memref_slice %arg8[%run_scoped3A_214, %add3A_193, %dma_wait3A_230] : memref<2x8x128xi32, #tpu.memory_space<vmem>> -> memref<1x1x128xi32, #tpu.memory_space<vmem>>
          %dma_wait3A_232 = tpu.memref_squeeze %dma_wait3A_231 : memref<1x1x128xi32, #tpu.memory_space<vmem>> -> memref<128xi32, #tpu.memory_space<vmem>>
          %dma_wait3A_233 = arith.constant 0 : i32
          %dma_wait3A_234 = arith.constant 0 : i32
          %dma_wait3A_235 = tpu.memref_slice %arg6[%dma_wait3A_233, %dma_wait3A_234] : memref<10112x128xf32, #tpu.memory_space<vmem_shared>> -> memref<10112x128xf32, #tpu.memory_space<vmem_shared>>
          tpu.wait_indirect_dma semaphore(%run_scoped3A_215 : memref<!tpu.dma_semaphore, #tpu.memory_space<semaphore_mem>>) src(%dma_wait3A_229 : memref<128x128xf32, #tpu.memory_space<vmem>>) dst(%dma_wait3A_235 : memref<10112x128xf32, #tpu.memory_space<vmem_shared>>)
          tpu.yield
        }) : () -> ()
      }
      %scan3A_156 = arith.constant 4 : i32
      %add3A_157 = arith.constant 2 : i32
      %add3A_158 = arith.addi %add3A_146, %add3A_157 : i32
      %lt3A_159 = arith.constant 10 : i32
      %lt3A_160 = arith.cmpi slt, %add3A_158, %lt3A_159 : i32
      %convert_element_type3A_161 = arith.extui %lt3A_160 : i1 to i32
      %cond3A_162 = arith.constant 0 : i32
      %cond3A_163 = arith.cmpi ne, %convert_element_type3A_161, %cond3A_162 : i32
      scf.if %cond3A_163 {
        %add3A_164 = arith.constant 2 : i32
        %add3A_165 = arith.addi %add3A_146, %add3A_164 : i32
        %mul3A_166 = arith.constant 8 : i32
        %mul3A_167 = arith.muli %add3A_165, %mul3A_166 : i32
        %add3A_168 = arith.addi %mul3A_23, %mul3A_167 : i32
        %dma_start3A_169 = arith.constant 1 : i32
        %dma_start3A_170 = arith.constant 0 : i32
        %dma_start3A_171 = arith.constant 0 : i32
        %dma_start3A_172 = tpu.memref_slice %arg7[%dma_start3A_169, %dma_start3A_170, %dma_start3A_171] : memref<2x8x128xi32, #tpu.memory_space<vmem>> -> memref<1x8x128xi32, #tpu.memory_space<vmem>>
        %dma_start3A_173 = tpu.memref_squeeze %dma_start3A_172 : memref<1x8x128xi32, #tpu.memory_space<vmem>> -> memref<8x128xi32, #tpu.memory_space<vmem>>
        %dma_start3A_174 = arith.constant 0 : i32
        %dma_start3A_175 = tpu.memref_slice %arg3[%add3A_168, %dma_start3A_174] : memref<2560x128xi32, #tpu.memory_space<hbm>> -> memref<8x128xi32, #tpu.memory_space<hbm>>
        %dma_start3A_176 = arith.constant 0 : i32
        %dma_start3A_177 = arith.constant 0 : i32
        %dma_start3A_178 = tpu.memref_slice %arg7[%dma_start3A_169, %dma_start3A_176, %dma_start3A_177] : memref<2x8x128xi32, #tpu.memory_space<vmem>> -> memref<1x8x128xi32, #tpu.memory_space<vmem>>
        %dma_start3A_179 = tpu.memref_squeeze %dma_start3A_178 : memref<1x8x128xi32, #tpu.memory_space<vmem>> -> memref<8x128xi32, #tpu.memory_space<vmem>>
        %dma_start3A_180 = arith.constant 0 : i32
        %dma_start3A_181 = tpu.memref_slice %arg3[%add3A_168, %dma_start3A_180] : memref<2560x128xi32, #tpu.memory_space<hbm>> -> memref<8x128xi32, #tpu.memory_space<hbm>>
        tpu.enqueue_dma source(%dma_start3A_181 : memref<8x128xi32, #tpu.memory_space<hbm>>) target(%dma_start3A_179 : memref<8x128xi32, #tpu.memory_space<vmem>>) target_semaphore(%arg13 : memref<!tpu.dma_semaphore, #tpu.memory_space<semaphore_mem>>)
        %dma_start3A_182 = arith.constant 1 : i32
        %dma_start3A_183 = arith.constant 0 : i32
        %dma_start3A_184 = arith.constant 0 : i32
        %dma_start3A_185 = tpu.memref_slice %arg8[%dma_start3A_182, %dma_start3A_183, %dma_start3A_184] : memref<2x8x128xi32, #tpu.memory_space<vmem>> -> memref<1x8x128xi32, #tpu.memory_space<vmem>>
        %dma_start3A_186 = tpu.memref_squeeze %dma_start3A_185 : memref<1x8x128xi32, #tpu.memory_space<vmem>> -> memref<8x128xi32, #tpu.memory_space<vmem>>
        %dma_start3A_187 = arith.constant 0 : i32
        %dma_start3A_188 = tpu.memref_slice %arg4[%add3A_168, %dma_start3A_187] : memref<2560x128xi32, #tpu.memory_space<hbm>> -> memref<8x128xi32, #tpu.memory_space<hbm>>
        %dma_start3A_189 = arith.constant 0 : i32
        %dma_start3A_190 = arith.constant 0 : i32
        %dma_start3A_191 = tpu.memref_slice %arg8[%dma_start3A_182, %dma_start3A_189, %dma_start3A_190] : memref<2x8x128xi32, #tpu.memory_space<vmem>> -> memref<1x8x128xi32, #tpu.memory_space<vmem>>
        %dma_start3A_192 = tpu.memref_squeeze %dma_start3A_191 : memref<1x8x128xi32, #tpu.memory_space<vmem>> -> memref<8x128xi32, #tpu.memory_space<vmem>>
        %dma_start3A_193 = arith.constant 0 : i32
        %dma_start3A_194 = tpu.memref_slice %arg4[%add3A_168, %dma_start3A_193] : memref<2560x128xi32, #tpu.memory_space<hbm>> -> memref<8x128xi32, #tpu.memory_space<hbm>>
        tpu.enqueue_dma source(%dma_start3A_194 : memref<8x128xi32, #tpu.memory_space<hbm>>) target(%dma_start3A_192 : memref<8x128xi32, #tpu.memory_space<vmem>>) target_semaphore(%arg13 : memref<!tpu.dma_semaphore, #tpu.memory_space<semaphore_mem>>)
      } else {
      }
    }
    %scan3A_123 = arith.constant 5 : i32
    %barrier3A_124 = arith.constant 0 : index
    tpu.barrier barrier_id(%barrier3A_124)
    "tpu.region"() ({
      %run_scoped3A_125 = tpu.sem_alloc : memref<!tpu.dma_semaphore, #tpu.memory_space<semaphore_mem>>
      %dma_start3A_126 = arith.constant 0 : i32
      %dma_start3A_127 = tpu.memref_slice %arg5[%arg0, %mul3A_7, %dma_start3A_126] : memref<2x10112x128xf32, #tpu.memory_space<hbm>> -> memref<1x632x128xf32, #tpu.memory_space<hbm>>
      %dma_start3A_128 = tpu.memref_squeeze %dma_start3A_127 : memref<1x632x128xf32, #tpu.memory_space<hbm>> -> memref<632x128xf32, #tpu.memory_space<hbm>>
      %dma_start3A_129 = arith.constant 0 : i32
      %dma_start3A_130 = tpu.memref_slice %arg6[%mul3A_7, %dma_start3A_129] : memref<10112x128xf32, #tpu.memory_space<vmem_shared>> -> memref<632x128xf32, #tpu.memory_space<vmem_shared>>
      tpu.enqueue_dma source(%dma_start3A_130 : memref<632x128xf32, #tpu.memory_space<vmem_shared>>) target(%dma_start3A_128 : memref<632x128xf32, #tpu.memory_space<hbm>>) target_semaphore(%run_scoped3A_125 : memref<!tpu.dma_semaphore, #tpu.memory_space<semaphore_mem>>)
      %dma_wait3A_131 = arith.constant 0 : i32
      %dma_wait3A_132 = tpu.memref_slice %arg5[%arg0, %mul3A_7, %dma_wait3A_131] : memref<2x10112x128xf32, #tpu.memory_space<hbm>> -> memref<1x632x128xf32, #tpu.memory_space<hbm>>
      %dma_wait3A_133 = tpu.memref_squeeze %dma_wait3A_132 : memref<1x632x128xf32, #tpu.memory_space<hbm>> -> memref<632x128xf32, #tpu.memory_space<hbm>>
      %dma_wait3A_134 = arith.constant 0 : i32
      %dma_wait3A_135 = tpu.memref_slice %arg6[%mul3A_7, %dma_wait3A_134] : memref<10112x128xf32, #tpu.memory_space<vmem_shared>> -> memref<632x128xf32, #tpu.memory_space<vmem_shared>>
      tpu.wait_dma2 semaphore(%run_scoped3A_125 : memref<!tpu.dma_semaphore, #tpu.memory_space<semaphore_mem>>) src(%dma_wait3A_135 : memref<632x128xf32, #tpu.memory_space<vmem_shared>>) dst(%dma_wait3A_133 : memref<632x128xf32, #tpu.memory_space<hbm>>)
      tpu.yield
    }) : () -> ()
    return
  }
}

</mosaic_0001>

<sc_bundles>
// kernel: _sc_agg.3.cloned.1.call-start
scs
__scs_entry_jumppad:
0x0: {  	(pc) =	sbr.rel $0x88, $3  }
0x1: {  	(tag) =	ssettag $0x0;
	lr =	simm.s32 $0x1  }
0x2: {  	[smem:$0x3F9E] =	sst lr;
	_ =	strace $0xD0000000  }
0x3: {  	_ = 	snop  }
0x4: {  	_ = 	snop  }
0x5: {  	_ = 	snop  }
0x6: {  	_ = 	snop  }
0x7: {  	_ = 	snop  }
__scs_overlays_trampoline_lowered:
0x8: {  	[smem:$0x3FAD] =	sst s0  }
0x9: {  	[smem:$0x3FAE] =	sst s1  }
0xa: {  	[smem:$0x3FAF] =	sst s2  }
0xb: {  	[smem:$0x3FB0] =	sst s3  }
0xc: {  	[smem:$0x3FB1] =	sst s4  }
0xd: {  	[smem:$0x3FB2] =	sst s5  }
0xe: {  	[smem:$0x3FB3] =	sst s6  }
0xf: {  	[smem:$0x3FB4] =	sst s7  }
0x10: {  	[smem:$0x3FB5] =	sst s8  }
0x11: {  	[smem:$0x3FB6] =	sst s9;
	s0 =	simm.s32 @!p0 $0x0  }
0x12: {  	s1 =	sld [smem:$0x3F9C];
	s0 =	simm.s32 @p0 $0x1  }
0x13: {  	[smem:$0x3FB7] =	sst s0;
	s0 =	simm.s32 @!p1 $0x0  }
0x14: {  	s2 =	sld [smem:$0x3F9B];
	s0 =	simm.s32 @p1 $0x1  }
0x15: {  	[smem:$0x3FB8] =	sst s0;
	s0 =	simm.s32 @!p2 $0x0  }
0x16: {  	s3 =	sld [smem:$0x3FDB];
	s0 =	simm.s32 @p2 $0x1  }
0x17: {  	s4 =	simm.s32 $0x1BF5;
	[smem:$0x3FBA] =	sst s0  }
0x18: {  	s0 =	sld [smem:$0x3F9D];
	_ =	swait.ge [sflag:s4], $0x0  }
0x19: {  	s7 =	sld [smem:$0x3F9E]  }
0x1a: {  	s8 =	sadd.s32 $0xFFFFE003, lr  }
0x1b: {  	s9 =	sadd.s32 $0xFFFFFEF7, lr;
	s5 =	simm.s32 $0xFFFFFFFF;
	p2 =	slt.u32 s8, $0xFFFFF086  }
0x1c: {  	p1 =	slt.u32 s9, $0xF7A;
	s5 =	simm.s32 @!p2 $0x0  }
0x1d: {  	s5 =	simm.s32 @p1 $0x1;
	p0 =	seq.s32 s7, s2  }
0x1e: {  	s7 =	smul.u32 @!p0 $0xF7A, s2;
	p2 =	seq.s32 @!p0 s5, $0x0  }
0x1f: {  	s9 =	smul.u32 $0xF7A, s1;
	s8 =	simm.s32 @!p0 $0x1BF5;
	p2 =	por !p2, p0  }
0x20: {  	[sflag:s8] =	ssyncset.s32 @!p0 $0xFFFFF086;
	s6 =	sadd.s32 @!p0 s3, s7;
	s7 =	simm.s32 @!p0 $0x108  }
0x21: {  	s3 =	sadd.s32 s3, s9;
	s6 =	sadd.s32 @!p0 $0x88, s6;
	s7 =	simm.s32 @p2 $0x1082  }
0x22: {  	[simem:s7], [sflag:s8] =	dma.local @!p0 [hbm:s6], $0xF7A  }
0x23: {  	s9 =	sor.u32 $0xD0000000, s2;
	s6 =	simm.s32 $0x108;
	_ =	swait.ge @!p0 [sflag:s8], $0x0  }
0x24: {  	s3 =	sadd.s32 $0x88, s3;
	s6 =	simm.s32 @!p1 $0x1082;
	[sflag:s4] =	ssyncset.s32 $0xFFFFF086  }
0x25: {  	[simem:s6], [sflag:s4] =	dma.local [hbm:s3], $0xF7A  }
0x26: {  	[smem:$0x3F9E] =	sst s1;
	(tag) =	ssettag s2;
	_ =	strace s9  }
0x27: {  	s1 =	sld [smem:$0x3FAE]  }
0x28: {  	s2 =	sld [smem:$0x3FAF]  }
0x29: {  	s4 =	sld [smem:$0x3FB1]  }
0x2a: {  	p0 =	seq.s32 s5, $0x0;
	s5 =	sld [smem:$0x3FB2]  }
0x2b: {  	s6 =	sld [smem:$0x3FB3]  }
0x2c: {  	s7 =	sld [smem:$0x3FB4]  }
0x2d: {  	s3 =	simm.s32 $0x108;
	s8 =	sld [smem:$0x3FB5]  }
0x2e: {  	s3 =	simm.s32 @!p0 $0x1082;
	s9 =	sld [smem:$0x3FB6]  }
0x2f: {  	lr =	sadd.s32 s0, s3;
	s0 =	sld [smem:$0x3FAD]  }
0x30: {  	s3 =	sld [smem:$0x3FB0]  }
0x31: {  	[smem:$0x3FB9] =	sst s10  }
0x32: {  	s10 =	sld [smem:$0x3FB7];
	_ =	sdelay $0x3  }
0x33: {  	p0 =	seq.s32 s10, $0x1;
	s10 =	sld [smem:$0x3FB9];
	_ =	sdelay $0x3  }
0x34: {  	[smem:$0x3FB9] =	sst s10  }
0x35: {  	s10 =	sld [smem:$0x3FB8];
	_ =	sdelay $0x3  }
0x36: {  	p1 =	seq.s32 s10, $0x1;
	s10 =	sld [smem:$0x3FB9];
	_ =	sdelay $0x3  }
0x37: {  	[smem:$0x3FB9] =	sst s10  }
0x38: {  	s10 =	sld [smem:$0x3FBA]  }
0x39: {  	_ = 	snop;
	(pc) =	sbr.ind lr, $3  }
0x3a: {  	_ = 	snop  }
0x3b: {  	_ = 	snop  }
0x3c: {  	p2 =	seq.s32 s10, $0x1;
	s10 =	sld [smem:$0x3FB9]  }
0x3d: {  	_ =	shalt  }
0x3e: {  	_ =	shalt  }
0x3f: {  	_ =	shalt  }
0x40: {  	_ =	shalt  }
0x41: {  	_ =	shalt  }
0x42: {  	_ =	shalt  }
0x43: {  	_ =	shalt  }
0x44: {  	_ =	shalt  }
0x45: {  	_ =	shalt  }
0x46: {  	_ =	shalt  }
0x47: {  	_ =	shalt  }
0x48: {  	_ =	shalt  }
0x49: {  	_ =	shalt  }
0x4a: {  	_ =	shalt  }
0x4b: {  	_ =	shalt  }
0x4c: {  	_ =	shalt  }
0x4d: {  	_ =	shalt  }
0x4e: {  	_ =	shalt  }
0x4f: {  	_ =	shalt  }
0x50: {  	_ =	shalt  }
0x51: {  	_ =	shalt  }
0x52: {  	_ =	shalt  }
0x53: {  	_ =	shalt  }
0x54: {  	_ =	shalt  }
0x55: {  	_ =	shalt  }
0x56: {  	_ =	shalt  }
0x57: {  	_ =	shalt  }
0x58: {  	_ =	shalt  }
0x59: {  	_ =	shalt  }
0x5a: {  	_ =	shalt  }
0x5b: {  	_ =	shalt  }
0x5c: {  	_ =	shalt  }
0x5d: {  	_ =	shalt  }
0x5e: {  	_ =	shalt  }
0x5f: {  	_ =	shalt  }
0x60: {  	_ =	shalt  }
0x61: {  	_ =	shalt  }
0x62: {  	_ =	shalt  }
0x63: {  	_ =	shalt  }
0x64: {  	_ =	shalt  }
0x65: {  	_ =	shalt  }
0x66: {  	_ =	shalt  }
0x67: {  	_ =	shalt  }
0x68: {  	_ =	shalt  }
0x69: {  	_ =	shalt  }
0x6a: {  	_ =	shalt  }
0x6b: {  	_ =	shalt  }
0x6c: {  	_ =	shalt  }
0x6d: {  	_ =	shalt  }
0x6e: {  	_ =	shalt  }
0x6f: {  	_ =	shalt  }
0x70: {  	_ =	shalt  }
0x71: {  	_ =	shalt  }
0x72: {  	_ =	shalt  }
0x73: {  	_ =	shalt  }
0x74: {  	_ =	shalt  }
0x75: {  	_ =	shalt  }
0x76: {  	_ =	shalt  }
0x77: {  	_ =	shalt  }
0x78: {  	_ =	shalt  }
0x79: {  	_ =	shalt  }
0x7a: {  	_ =	shalt  }
0x7b: {  	_ =	shalt  }
0x7c: {  	_ =	shalt  }
0x7d: {  	_ =	shalt  }
0x7e: {  	_ =	shalt  }
0x7f: {  	_ =	shalt  }
0x80: {  	_ =	shalt  }
0x81: {  	_ =	shalt  }
0x82: {  	_ =	shalt  }
0x83: {  	_ =	shalt  }
0x84: {  	_ =	shalt  }
0x85: {  	_ =	shalt  }
0x86: {  	_ =	shalt  }
0x87: {  	_ =	shalt  }
.Lfunc_end0:
.L_simem_size_0:
called_computation_lowered:
.L_overlay_start_0:
0x88: {  	s2 =	sld [smem:$0x3FD9]  }
0x89: {  	s3 =	sld [smem:$0x3FFE];
	_ =	sdelay $0x1  }
0x8a: {  	s1 =	srdreg.scid  }
0x8b: {  	s0 =	sand.u32 $0x1, s1  }
0x8c: {  	s18 =	sshll.u32 s0, $0xA;
	s2 =	sadd.s32 s3, s2  }
0x8d: {  	s2 =	sadd.s32 s2, s18  }
0x8e: {  	[smem:$0x3FC5] =	sst s2  }
0x8f: {  	_ = 	snop  }
0x90: {  	s2 =	sld [smem:$0x3FC9]  }
0x91: {  	s19 =	sld [smem:$0x3FC8]  }
0x92: {  	s4 =	sld [smem:$0x3FC7]  }
0x93: {  	s5 =	sld [smem:$0x3FD0];
	(tm) =	ssettm $0x1  }
0x94: {  	s6 =	sld [smem:$0x3FFB];
	_ =	sdelay $0x3  }
0x95: {  	_ =	strace s6  }
0x96: {  	s6 =	sld [smem:$0x3FFC];
	_ =	sdelay $0x3  }
0x97: {  	_ =	strace s6  }
0x98: {  	s6 =	sld [smem:$0x3FFD];
	_ =	sdelay $0x3  }
0x99: {  	_ =	strace s6  }
0x9a: {  	_ =	strace $0x8FFFFFFF  }
0x9b: {  	s20 =	sld [smem:$0x3FDB];
	_ =	sdelay $0x1  }
0x9c: {  	s7 =	simm.s32 $_scs_section_size  }
0x9d: {  	s8 =	simm.s32 $_size__tile_overlayer_lowered;
	s9 =	simm.s32 $_tile_overlayer_lowered  }
0x9e: {  	s23 =	simm.s32 $0x1BFF;
	s22 =	sshll.u32 s9, $0x1;
	s6 =	sadd.s32 s7, s20  }
0x9f: {  	s10 =	simm.s32 $0x0;
	s21 =	sshll.u32 s8, $0x1;
	s8 =	sadd.s32 s22, s6  }
0xa0: {  	[timem:s10], [sflag:s23] =	dma.local [hbm:s8], s21  }
0xa1: {  	_ =	swait.ge [sflag:s23], s21  }
0xa2: {  	s7 =	ssub.s32 $0x0, s21;
	[sflag:s23] =	ssyncset.done $0x0  }
0xa3: {  	[sflag:s23] =	ssyncadd.s32 s7;
	_ =	sdelay $0x1  }
0xa4: {  	s24 =	simm.s32 $0x1B8B  }
0xa5: {  	_ =	swait.ge [sflag:s24], $0x1  }
0xa6: {  	[sflag:s24] =	ssyncset.done $0x0  }
0xa7: {  	s25 =	simm.s32 $0x1B8E;
	[sflag:s24] =	ssyncadd.s32 $0xFFFFFFFF  }
0xa8: {  	s26 =	simm.s32 $execute0_lowered;
	[smem:$0x3FD2] =	sst s25  }
0xa9: {  	s7 =	sshll.u32 s26, $0x1;
	_ =	strace $0x80000046;
	[dreg:$0x1] =	wrdreg $0xFFFFFFFF  }
0xaa: {  	s28 =	simm.s32 $_size_execute0_lowered;
	s6 =	sadd.s32 s6, s7;
	[dreg:$0x0] =	wrdreg $0x0  }
0xab: {  	s7 =	sshll.u32 s28, $0x1;
	[dreg:$0x2] =	wrdreg s6  }
0xac: {  	[dreg:$0x3] =	wrdreg s7  }
0xad: {  	[dreg:$0x4] =	wrdreg $0xC0  }
0xae: {  	_ =	task [dreg:s10], $0x5FFFF  }
0xaf: {  	[dreg:$0x1] =	wrdreg $0xFFFFFFFF  }
0xb0: {  	[dreg:$0x0] =	wrdreg $0x60  }
0xb1: {  	[dreg:$0x2] =	wrdreg s2  }
0xb2: {  	[dreg:$0x3] =	wrdreg s19  }
0xb3: {  	[dreg:$0x4] =	wrdreg s4  }
0xb4: {  	[dreg:$0x5] =	wrdreg s5  }
0xb5: {  	[dreg:$0x6] =	wrdreg $0x0  }
0xb6: {  	[dreg:$0x7] =	wrdreg $0x9  }
0xb7: {  	_ =	task.clear_ibuf [dreg:s10], $0x8FFFF;
	_ =	strace $0x90000046  }
0xb8: {  	s29 =	simm.s32 $0x9;
	_ =	strace $0x80000048  }
0xb9: {  	_ =	swait.ge [sflag:s29], $0x1  }
0xba: {  	[sflag:s29] =	ssyncadd.s32 $0xFFFFFFFF  }
0xbb: {  	_ =	strace $0x90000048  }
0xbc: {  	_ =	sfence  }
0xbd: {  	s30 =	sld [smem:$0x0];
	_ =	sdelay $0x2  }
0xbe: {  	s31 =	sshll.u32 s1, $0xD;
	s1 =	sshrl.u32 s1, $0x2  }
0xbf: {  	s3 =	sand.u32 $0x4000, s31;
	s1 =	sadd.s32 s1, s30  }
0xc0: {  	s0 =	sor.u32 s3, s0;
	s1 =	sshll.u32 s1, $0x11  }
0xc1: {  	s0 =	sor.u32 s1, s0  }
0xc2: {  	s0 =	sadd.s32 $0x8F2B, s0  }
0xc3: {  	[sflag:s0] =	ssyncadd.remote.s32 $0x1  }
0xc4: {  	_ =	sfence.sel $0xFFFF  }
0xc5: {  	[dreg:$0x0] =	wrdreg $0xFFFFFFFF;
	(pc) =	sbr.abs _section_cstart, $3  }
0xc6: {  	[dreg:$0x1] =	wrdreg $0xFFFFFFFF  }
0xc7: {  	_ =	task.clear_ibuf [dreg:s10], $0x2FFFF;
	_ =	strace $0x9FFFFFFF  }
0xc8: {  	(tm) =	ssettm $0x7FFFFFFF  }
0xc9: {  	_ =	shalt  }
tec
execute0_lowered:
.L_overlay_start_1:
0x0: {  	(tag) =	ssettag $0x1  }
0x1: {  	s1 =	rddreg [dreg:$0x0]  }
0x2: {  	s0 =	rddreg [dreg:$0x1]  }
0x3: {  	s2 =	rddreg [dreg:$0x2]  }
0x4: {  	s5 =	rddreg [dreg:$0x3];
	s12 =	stileid.u32  }
0x5: {  	s3 =	rddreg [dreg:$0x4];
	s4 =	simm.s32 $0x0;
	s7 =	smul.u32 $0x4F000, s12  }
0x6: {  	s6 =	srdreg.scid;
	s28 =	simm.s32 $0x14800;
	s15 =	smul.u32 $0x13C00, s12  }
0x7: {  	s30 =	simm.s32 $0x18C00;
	s6 =	sand.u32 $0x1, s6;
	s20 =	smul.u32 $0xA, s12  }
0x8: {  	s31 =	simm.s32 $0x1;
	[smem:$0x7FF] =	sst s4;
	s29 =	smul.u32 $0x13C000, s6  }
0x9: {  	_ =	strace $0x80000047;
	s8 =	sshll.u32 s6, $0x4;
	s18 =	smul.u32 $0xA0, s6  }
0xa: {  	s9 =	ssub.s32 $0x2, s6;
	s21 =	smul.u32 $0x5000, s6;
	s6 =	simm.s32 $0x14180  }
0xb: {  	s8 =	sor.u32 s12, s8;
	s7 =	sshrl.u32 s7, $0x2;
	s10 =	sshrl.u32 s9, $0x1  }
0xc: {  	s23 =	sadd.s32 s7, s3;
	s24 =	smul.u32 $0x500, s8;
	s25 =	ssub.s32 s9, s10  }
0xd: {  	s9 =	sadd.s32 s15, s29;
	s10 =	simm.s32 $0x14280;
	s15 =	simm.s32 $0x14B00  }
0xe: {  	s26 =	sadd.s32 $0x4000, s23;
	s13 =	sadd.s32 $0x8000, s23;
	[dreg:$0x6] =	wrdreg s23  }
0xf: {  	s14 =	sadd.s32 $0xC000, s23;
	s11 =	sadd.s32 $0x10000, s23;
	[dreg:$0x7] =	wrdreg s26  }
0x10: {  	s9 =	sshrl.u32 s9, $0x3;
	s22 =	smax.u32 s25, $0x1;
	[dreg:$0x8] =	wrdreg s13  }
0x11: {  	s25 =	sadd.s32 s20, s18;
	s20 =	simm.s32 $0x14C00;
	[dreg:$0x9] =	wrdreg s14  }
0x12: {  	[dreg:$0xa] =	wrdreg s11;
	s16 =	sadd.s32 s0, s24;
	s17 =	sadd.s32 s2, s24  }
0x13: {  	s7 =	sor.u32 $0x80, s24;
	s5 =	sadd.s32 s5, s9;
	[dreg:$0x10] =	wrdreg s22  }
0x14: {  	s24 =	smul.u32 $0x500, s12;
	s26 =	sadd.s32 s21, s2;
	s9 =	simm.s32 $0x14980  }
0x15: {  	s11 =	simm.s32 $0x14A00;
	s12 =	simm.s32 $0x14300;
	[dreg:$0xb] =	wrdreg s16  }
0x16: {  	s13 =	simm.s32 $0x14A80;
	s14 =	simm.s32 $0x14380;
	[dreg:$0xc] =	wrdreg s17  }
0x17: {  	s22 =	simm.s32 $0x14B80;
	s19 =	sadd.s32 s0, s7;
	[dreg:$0xf] =	wrdreg s5  }
0x18: {  	s7 =	sadd.s32 s2, s7;
	s5 =	sadd.s32 s21, s0;
	[dreg:$0xd] =	wrdreg s19  }
0x19: {  	s21 =	simm.s32 $0x5;
	[dreg:$0xe] =	wrdreg s7;
	s7 =	sshll.u32 s25, $0x7  }
.Ltmp0:
0x1a: {  	s8 =	sadd.s32 s24, s26;
	s5 =	sadd.s32 s24, s5;
	(pc) =	sbr.rel .LBB2_1-.Ltmp0, $4  }
0x1b: {  	s25 =	simm.s32 $0x80;
	s26 =	simm.s32 $0x14000;
	s24 =	simm.s32 $0x4  }
0x1c: {  	s29 =	sadd.s32 $0x100, s7;
	s16 =	sadd.s32 $0x180, s8;
	s17 =	sadd.s32 $0x180, s5  }
0x1d: {  	s7 =	simm.s32 $0x14900;
	s8 =	simm.s32 $0x14200;
	s5 =	simm.s32 $0x0  }
0x1e: {  	v0 =	vimm.f32 $0.0e+00;
	s18 =	sadd.s32 s29, s0;
	s19 =	sadd.s32 s29, s2;
	s2 =	simm.s32 $0x2  }
.LBB2_6:
0x1f: {  	s0 =	stileid.u32;
	[bflag:$0x0] =	sbarrier.arrive $0xFFFF  }
0x20: {  	s0 =	sshll.u32 s0, $0x6;
	s23 =	rddreg [dreg:$0x6]  }
0x21: {  	s29 =	rddreg [dreg:$0xf];
	s0 =	sor.u32 $0x1C05, s0;
	s5 =	sshrl.u32 s23, $0x3  }
0x22: {  	[hbm:s29], [sflag:s0] =	dma.local [spmem:s5], $0x2780  }
0x23: {  	_ =	swait.ge [sflag:s21], $0x2780  }
0x24: {  	s0 =	rddreg [dreg:$0x11]  }
0x25: {  	s29 =	rddreg [dreg:$0x10];
	s5 =	sadd.s32 $0x1, s0  }
0x26: {  	p0 =	sne.s32 s5, s29  }
.Ltmp1:
0x27: {  	_ = 	snop;
	(pc) =	sbr.rel @!p0 .LBB2_7-.Ltmp1, $3  }
0x28: {  	_ =	sdelay $0x1  }
0x29: {  	[sflag:s21] =	ssyncset.done $0x0  }
0x2a: {  	[sflag:s21] =	ssyncadd.s32 $0xFFFFD880  }
.LBB2_1:
0x2b: {  	[dreg:$0x11] =	wrdreg s5;
	s5 =	simm.s32 $0x0;
	s29 =	simm.s32 $0x200  }
.LBB2_2:
0x2c: {  	p0 =	sne.s32 s29, $0xFE00;
	[tilespmem:s5+$0x14C70] =	vst v0  }
0x2d: {  	[tilespmem:s5+$0x14C00] =	vst v0  }
0x2e: {  	[tilespmem:s5+$0x14C10] =	vst v0  }
.Ltmp2:
0x2f: {  	[tilespmem:s5+$0x14C20] =	vst v0;
	(pc) =	sbr.rel @p0 .LBB2_2-.Ltmp2, $4  }
0x30: {  	[tilespmem:s5+$0x14C30] =	vst v0  }
0x31: {  	[tilespmem:s5+$0x14C40] =	vst v0  }
0x32: {  	[tilespmem:s5+$0x14C50] =	vst v0  }
0x33: {  	[tilespmem:s5+$0x14C60] =	vst v0;
	s5 =	sshra.s32 s29, $0x2;
	s29 =	sadd.s32 $0x200, s29  }
0x34: {  	[tilespmem:s5+$0x14C70] =	vst v0  }
0x35: {  	[tilespmem:s5+$0x14C00] =	vst v0  }
0x36: {  	[tilespmem:s5+$0x14C10] =	vst v0  }
0x37: {  	[tilespmem:s5+$0x14C20] =	vst v0  }
0x38: {  	[tilespmem:s5+$0x14C30] =	vst v0  }
0x39: {  	[tilespmem:s5+$0x14C40] =	vst v0  }
0x3a: {  	[tilespmem:s5+$0x14C50] =	vst v0  }
0x3b: {  	[tilespmem:s5+$0x14C60] =	vst v0  }
0x3c: {  	[spmem:s23] =	stream.linear.scatter [tilespmem:s20], [sflag:$0x5], $0x4000, $0x38;
	[tilespmem:$0x1CC00] =	vst v63  }
0x3d: {  	_ =	swait.ge [sflag:s21], $0x4000  }
0x3e: {  	[sflag:s21] =	ssyncset.done $0x0  }
0x3f: {  	s0 =	rddreg [dreg:$0x7];
	[sflag:s21] =	ssyncadd.s32 $0xFFFFC000  }
0x40: {  	[spmem:s0] =	stream.linear.scatter [tilespmem:s20], [sflag:$0x5], $0x4000, $0x38;
	[tilespmem:$0x1CC00] =	vst v63  }
0x41: {  	_ =	swait.ge [sflag:s21], $0x4000  }
0x42: {  	[sflag:s21] =	ssyncset.done $0x0  }
0x43: {  	s29 =	rddreg [dreg:$0x8];
	[sflag:s21] =	ssyncadd.s32 $0xFFFFC000  }
0x44: {  	[spmem:s29] =	stream.linear.scatter [tilespmem:s20], [sflag:$0x5], $0x4000, $0x38;
	[tilespmem:$0x1CC00] =	vst v63  }
0x45: {  	_ =	swait.ge [sflag:s21], $0x4000  }
0x46: {  	[sflag:s21] =	ssyncset.done $0x0  }
0x47: {  	s5 =	rddreg [dreg:$0x9];
	[sflag:s21] =	ssyncadd.s32 $0xFFFFC000  }
0x48: {  	[spmem:s5] =	stream.linear.scatter [tilespmem:s20], [sflag:$0x5], $0x4000, $0x38;
	[tilespmem:$0x1CC00] =	vst v63  }
0x49: {  	_ =	swait.ge [sflag:s21], $0x4000  }
0x4a: {  	[sflag:s21] =	ssyncset.done $0x0  }
0x4b: {  	s23 =	rddreg [dreg:$0xa];
	[sflag:s21] =	ssyncadd.s32 $0xFFFFC000  }
0x4c: {  	[spmem:s23] =	stream.linear.scatter [tilespmem:s20], [sflag:$0x5], $0x3C00, $0x38;
	[tilespmem:$0x1CC00] =	vst v63  }
0x4d: {  	_ =	swait.ge [sflag:s21], $0x3C00  }
0x4e: {  	s5 =	simm.s32 $0x0;
	[sflag:s21] =	ssyncset.done $0x0  }
0x4f: {  	s23 =	simm.s32 $0x13C00;
	s29 =	rddreg [dreg:$0xb];
	[sflag:s21] =	ssyncadd.s32 $0xFFFFC400  }
0x50: {  	[tilespmem:s23], [sflag:$0x3] =	stream.linear.gather [hbm4b:s29+s5], $0x400, $0x38;
	[tilespmem:$0x1CC00] =	vst v63  }
0x51: {  	s0 =	rddreg [dreg:$0xc];
	s29 =	simm.s32 $0x14400  }
0x52: {  	[tilespmem:s29], [sflag:$0x3] =	stream.linear.gather [hbm4b:s0+s5], $0x400, $0x38;
	[tilespmem:$0x1CC00] =	vst v63  }
0x53: {  	s29 =	simm.s32 $0x3  }
0x54: {  	_ =	swait.ge [sflag:s29], $0x400  }
0x55: {  	[sflag:s29] =	ssyncset.done $0x0  }
0x56: {  	[sflag:s29] =	ssyncadd.s32 $0xFFFFFC00  }
0x57: {  	_ =	swait.ge [sflag:s29], $0x400  }
0x58: {  	[sflag:s29] =	ssyncset.done $0x0  }
0x59: {  	[sflag:s29] =	ssyncadd.s32 $0xFFFFFC00  }
0x5a: {  	[tilespmem:s20], [sflag:$0x1] =	stream.indirect.gather [hbm4b:s1+s25], $0x80, s23, s25, $0xb8;
	[tilespmem:$0x1CC00] =	vst v63  }
0x5b: {  	s23 =	rddreg [dreg:$0xd]  }
0x5c: {  	[tilespmem:s26], [sflag:$0x4] =	stream.linear.gather [hbm4b:s23+s5], $0x400, $0x38;
	[tilespmem:$0x1CC00] =	vst v63  }
0x5d: {  	s29 =	rddreg [dreg:$0xe]  }
0x5e: {  	[tilespmem:s28], [sflag:$0x4] =	stream.linear.gather [hbm4b:s29+s5], $0x400, $0x38;
	[tilespmem:$0x1CC00] =	vst v63  }
0x5f: {  	[bflag:$0x0] =	sbarrier.arrive $0xFFFF  }
.LBB2_4:
0x60: {  	p0 =	seq.s32 s5, $0x0  }
0x61: {  	s29 =	simm.s32 @!p0 $0x3  }
0x62: {  	_ =	swait.ge @!p0 [sflag:s29], $0x400  }
0x63: {  	[sflag:s29] =	ssyncset.done @!p0 $0x0  }
0x64: {  	[sflag:s29] =	ssyncadd.s32 @!p0 $0xFFFFFC00  }
0x65: {  	_ =	swait.ge @!p0 [sflag:s29], $0x400  }
0x66: {  	s0 =	simm.s32 @!p0 $0x13C00;
	[sflag:s29] =	ssyncset.done @!p0 $0x0  }
0x67: {  	s23 =	simm.s32 @!p0 $0x14C00;
	[sflag:s29] =	ssyncadd.s32 @!p0 $0xFFFFFC00;
	s29 =	simm.s32 @!p0 $0x80  }
0x68: {  	[tilespmem:s23], [sflag:$0x1] =	stream.indirect.gather @!p0 [hbm4b:s1+s29], $0x80, s0, s29, $0xb8;
	[tilespmem:$0x1CC00] =	vst v63  }
0x69: {  	s23 =	simm.s32 $0x13C80  }
0x6a: {  	[tilespmem:s30], [sflag:$0x2] =	stream.indirect.gather [hbm4b:s1+s25], $0x80, s23, s25, $0xb8;
	[tilespmem:$0x1CC00] =	vst v63  }
0x6b: {  	_ =	swait.ge [sflag:s31], $0x4000  }
0x6c: {  	[sflag:s31] =	ssyncset.done $0x0  }
0x6d: {  	s29 =	simm.s32 $0x14400;
	[sflag:s31] =	ssyncadd.s32 $0xFFFFC000  }
0x6e: {  	[spmem:s3] =	stream.indirect.scatter.add.f32 [tilespmem:s20], [sflag:$0x5], $0x80, s29, s25, $0xb8;
	[tilespmem:$0x1CC00] =	vst v63  }
0x6f: {  	_ =	swait.ge [sflag:s21], $0x4000  }
0x70: {  	[sflag:s21] =	ssyncset.done $0x0  }
0x71: {  	s23 =	simm.s32 $0x13D00;
	[sflag:s21] =	ssyncadd.s32 $0xFFFFC000  }
0x72: {  	[tilespmem:s20], [sflag:$0x1] =	stream.indirect.gather [hbm4b:s1+s25], $0x80, s23, s25, $0xb8;
	[tilespmem:$0x1CC00] =	vst v63  }
0x73: {  	_ =	swait.ge [sflag:s2], $0x4000  }
0x74: {  	[sflag:s2] =	ssyncset.done $0x0  }
0x75: {  	s29 =	simm.s32 $0x14480;
	[sflag:s2] =	ssyncadd.s32 $0xFFFFC000  }
0x76: {  	[spmem:s3] =	stream.indirect.scatter.add.f32 [tilespmem:s30], [sflag:$0x5], $0x80, s29, s25, $0xb8;
	[tilespmem:$0x1CC00] =	vst v63  }
0x77: {  	_ =	swait.ge [sflag:s21], $0x4000  }
0x78: {  	[sflag:s21] =	ssyncset.done $0x0  }
0x79: {  	s23 =	simm.s32 $0x13D80;
	[sflag:s21] =	ssyncadd.s32 $0xFFFFC000  }
0x7a: {  	[tilespmem:s30], [sflag:$0x2] =	stream.indirect.gather [hbm4b:s1+s25], $0x80, s23, s25, $0xb8;
	[tilespmem:$0x1CC00] =	vst v63  }
0x7b: {  	_ =	swait.ge [sflag:s31], $0x4000  }
0x7c: {  	[sflag:s31] =	ssyncset.done $0x0  }
0x7d: {  	s29 =	simm.s32 $0x14500;
	[sflag:s31] =	ssyncadd.s32 $0xFFFFC000  }
0x7e: {  	[spmem:s3] =	stream.indirect.scatter.add.f32 [tilespmem:s20], [sflag:$0x5], $0x80, s29, s25, $0xb8;
	[tilespmem:$0x1CC00] =	vst v63  }
0x7f: {  	_ =	swait.ge [sflag:s21], $0x4000  }
0x80: {  	[sflag:s21] =	ssyncset.done $0x0  }
0x81: {  	s23 =	simm.s32 $0x13E00;
	[sflag:s21] =	ssyncadd.s32 $0xFFFFC000  }
0x82: {  	[tilespmem:s20], [sflag:$0x1] =	stream.indirect.gather [hbm4b:s1+s25], $0x80, s23, s25, $0xb8;
	[tilespmem:$0x1CC00] =	vst v63  }
0x83: {  	_ =	swait.ge [sflag:s2], $0x4000  }
0x84: {  	[sflag:s2] =	ssyncset.done $0x0  }
0x85: {  	s29 =	simm.s32 $0x14580;
	[sflag:s2] =	ssyncadd.s32 $0xFFFFC000  }
0x86: {  	[spmem:s3] =	stream.indirect.scatter.add.f32 [tilespmem:s30], [sflag:$0x5], $0x80, s29, s25, $0xb8;
	[tilespmem:$0x1CC00] =	vst v63  }
0x87: {  	_ =	swait.ge [sflag:s21], $0x4000  }
0x88: {  	[sflag:s21] =	ssyncset.done $0x0  }
0x89: {  	s23 =	simm.s32 $0x13E80;
	[sflag:s21] =	ssyncadd.s32 $0xFFFFC000  }
0x8a: {  	[tilespmem:s30], [sflag:$0x2] =	stream.indirect.gather [hbm4b:s1+s25], $0x80, s23, s25, $0xb8;
	[tilespmem:$0x1CC00] =	vst v63  }
0x8b: {  	_ =	swait.ge [sflag:s31], $0x4000  }
0x8c: {  	[sflag:s31] =	ssyncset.done $0x0  }
0x8d: {  	s29 =	simm.s32 $0x14600;
	[sflag:s31] =	ssyncadd.s32 $0xFFFFC000  }
0x8e: {  	[spmem:s3] =	stream.indirect.scatter.add.f32 [tilespmem:s20], [sflag:$0x5], $0x80, s29, s25, $0xb8;
	[tilespmem:$0x1CC00] =	vst v63  }
0x8f: {  	_ =	swait.ge [sflag:s21], $0x4000  }
0x90: {  	[sflag:s21] =	ssyncset.done $0x0  }
0x91: {  	s23 =	simm.s32 $0x13F00;
	[sflag:s21] =	ssyncadd.s32 $0xFFFFC000  }
0x92: {  	[tilespmem:s20], [sflag:$0x1] =	stream.indirect.gather [hbm4b:s1+s25], $0x80, s23, s25, $0xb8;
	[tilespmem:$0x1CC00] =	vst v63  }
0x93: {  	_ =	swait.ge [sflag:s2], $0x4000  }
0x94: {  	[sflag:s2] =	ssyncset.done $0x0  }
0x95: {  	s29 =	simm.s32 $0x14680;
	[sflag:s2] =	ssyncadd.s32 $0xFFFFC000  }
0x96: {  	[spmem:s3] =	stream.indirect.scatter.add.f32 [tilespmem:s30], [sflag:$0x5], $0x80, s29, s25, $0xb8;
	[tilespmem:$0x1CC00] =	vst v63  }
0x97: {  	_ =	swait.ge [sflag:s21], $0x4000  }
0x98: {  	[sflag:s21] =	ssyncset.done $0x0  }
0x99: {  	s23 =	simm.s32 $0x13F80;
	[sflag:s21] =	ssyncadd.s32 $0xFFFFC000  }
0x9a: {  	[tilespmem:s30], [sflag:$0x2] =	stream.indirect.gather [hbm4b:s1+s25], $0x80, s23, s25, $0xb8;
	[tilespmem:$0x1CC00] =	vst v63  }
0x9b: {  	_ =	swait.ge [sflag:s31], $0x4000  }
0x9c: {  	[sflag:s31] =	ssyncset.done $0x0  }
0x9d: {  	s29 =	simm.s32 $0x14700;
	[sflag:s31] =	ssyncadd.s32 $0xFFFFC000  }
0x9e: {  	[spmem:s3] =	stream.indirect.scatter.add.f32 [tilespmem:s20], [sflag:$0x5], $0x80, s29, s25, $0xb8;
	[tilespmem:$0x1CC00] =	vst v63  }
0x9f: {  	_ =	swait.ge [sflag:s21], $0x4000  }
0xa0: {  	[sflag:s21] =	ssyncset.done $0x0  }
0xa1: {  	[sflag:s21] =	ssyncadd.s32 $0xFFFFC000  }
0xa2: {  	_ =	swait.ge [sflag:s2], $0x4000  }
0xa3: {  	[sflag:s2] =	ssyncset.done $0x0  }
0xa4: {  	s23 =	simm.s32 $0x14780;
	[sflag:s2] =	ssyncadd.s32 $0xFFFFC000  }
0xa5: {  	[spmem:s3] =	stream.indirect.scatter.add.f32 [tilespmem:s30], [sflag:$0x5], $0x80, s23, s25, $0xb8;
	[tilespmem:$0x1CC00] =	vst v63  }
0xa6: {  	p0 =	seq.s32 s5, $0x400;
	_ =	swait.ge [sflag:s21], $0x4000  }
0xa7: {  	s0 =	sadd.s32 @!p0 s5, s18;
	[sflag:s21] =	ssyncset.done $0x0  }
0xa8: {  	s29 =	simm.s32 @!p0 $0x13C00;
	s23 =	simm.s32 @!p0 $0x0;
	[sflag:s21] =	ssyncadd.s32 $0xFFFFC000  }
0xa9: {  	[tilespmem:s29], [sflag:$0x3] =	stream.linear.gather @!p0 [hbm4b:s0+s23], $0x400, $0x38;
	[tilespmem:$0x1CC00] =	vst v63  }
0xaa: {  	s0 =	sadd.s32 @!p0 s5, s19;
	s29 =	simm.s32 @!p0 $0x14400  }
0xab: {  	[tilespmem:s29], [sflag:$0x3] =	stream.linear.gather @!p0 [hbm4b:s0+s23], $0x400, $0x38;
	[tilespmem:$0x1CC00] =	vst v63  }
0xac: {  	_ =	swait.ge [sflag:s24], $0x400  }
0xad: {  	[sflag:s24] =	ssyncset.done $0x0  }
0xae: {  	[sflag:s24] =	ssyncadd.s32 $0xFFFFFC00  }
0xaf: {  	_ =	swait.ge [sflag:s24], $0x400  }
0xb0: {  	[sflag:s24] =	ssyncset.done $0x0  }
0xb1: {  	[sflag:s24] =	ssyncadd.s32 $0xFFFFFC00  }
0xb2: {  	[tilespmem:s20], [sflag:$0x1] =	stream.indirect.gather [hbm4b:s1+s25], $0x80, s26, s25, $0xb8;
	[tilespmem:$0x1CC00] =	vst v63  }
0xb3: {  	s29 =	simm.s32 $0x14080  }
0xb4: {  	[tilespmem:s30], [sflag:$0x2] =	stream.indirect.gather [hbm4b:s1+s25], $0x80, s29, s25, $0xb8;
	[tilespmem:$0x1CC00] =	vst v63  }
0xb5: {  	_ =	swait.ge [sflag:s31], $0x4000  }
0xb6: {  	[sflag:s31] =	ssyncset.done $0x0  }
0xb7: {  	[sflag:s31] =	ssyncadd.s32 $0xFFFFC000  }
0xb8: {  	[spmem:s3] =	stream.indirect.scatter.add.f32 [tilespmem:s20], [sflag:$0x5], $0x80, s28, s25, $0xb8;
	[tilespmem:$0x1CC00] =	vst v63  }
0xb9: {  	_ =	swait.ge [sflag:s21], $0x4000  }
0xba: {  	[sflag:s21] =	ssyncset.done $0x0  }
0xbb: {  	s23 =	simm.s32 $0x14100;
	[sflag:s21] =	ssyncadd.s32 $0xFFFFC000  }
0xbc: {  	[tilespmem:s20], [sflag:$0x1] =	stream.indirect.gather [hbm4b:s1+s25], $0x80, s23, s25, $0xb8;
	[tilespmem:$0x1CC00] =	vst v63  }
0xbd: {  	_ =	swait.ge [sflag:s2], $0x4000  }
0xbe: {  	[sflag:s2] =	ssyncset.done $0x0  }
0xbf: {  	s29 =	simm.s32 $0x14880;
	[sflag:s2] =	ssyncadd.s32 $0xFFFFC000  }
0xc0: {  	[spmem:s3] =	stream.indirect.scatter.add.f32 [tilespmem:s30], [sflag:$0x5], $0x80, s29, s25, $0xb8;
	[tilespmem:$0x1CC00] =	vst v63  }
0xc1: {  	_ =	swait.ge [sflag:s21], $0x4000  }
0xc2: {  	[sflag:s21] =	ssyncset.done $0x0  }
0xc3: {  	[sflag:s21] =	ssyncadd.s32 $0xFFFFC000  }
0xc4: {  	[tilespmem:s30], [sflag:$0x2] =	stream.indirect.gather [hbm4b:s1+s25], $0x80, s6, s25, $0xb8;
	[tilespmem:$0x1CC00] =	vst v63  }
0xc5: {  	_ =	swait.ge [sflag:s31], $0x4000  }
0xc6: {  	[sflag:s31] =	ssyncset.done $0x0  }
0xc7: {  	[sflag:s31] =	ssyncadd.s32 $0xFFFFC000  }
0xc8: {  	[spmem:s3] =	stream.indirect.scatter.add.f32 [tilespmem:s20], [sflag:$0x5], $0x80, s7, s25, $0xb8;
	[tilespmem:$0x1CC00] =	vst v63  }
0xc9: {  	_ =	swait.ge [sflag:s21], $0x4000  }
0xca: {  	[sflag:s21] =	ssyncset.done $0x0  }
0xcb: {  	[sflag:s21] =	ssyncadd.s32 $0xFFFFC000  }
0xcc: {  	[tilespmem:s20], [sflag:$0x1] =	stream.indirect.gather [hbm4b:s1+s25], $0x80, s8, s25, $0xb8;
	[tilespmem:$0x1CC00] =	vst v63  }
0xcd: {  	_ =	swait.ge [sflag:s2], $0x4000  }
0xce: {  	[sflag:s2] =	ssyncset.done $0x0  }
0xcf: {  	[sflag:s2] =	ssyncadd.s32 $0xFFFFC000  }
0xd0: {  	[spmem:s3] =	stream.indirect.scatter.add.f32 [tilespmem:s30], [sflag:$0x5], $0x80, s9, s25, $0xb8;
	[tilespmem:$0x1CC00] =	vst v63  }
0xd1: {  	_ =	swait.ge [sflag:s21], $0x4000  }
0xd2: {  	[sflag:s21] =	ssyncset.done $0x0  }
0xd3: {  	[sflag:s21] =	ssyncadd.s32 $0xFFFFC000  }
0xd4: {  	[tilespmem:s30], [sflag:$0x2] =	stream.indirect.gather [hbm4b:s1+s25], $0x80, s10, s25, $0xb8;
	[tilespmem:$0x1CC00] =	vst v63  }
0xd5: {  	_ =	swait.ge [sflag:s31], $0x4000  }
0xd6: {  	[sflag:s31] =	ssyncset.done $0x0  }
0xd7: {  	[sflag:s31] =	ssyncadd.s32 $0xFFFFC000  }
0xd8: {  	[spmem:s3] =	stream.indirect.scatter.add.f32 [tilespmem:s20], [sflag:$0x5], $0x80, s11, s25, $0xb8;
	[tilespmem:$0x1CC00] =	vst v63  }
0xd9: {  	_ =	swait.ge [sflag:s21], $0x4000  }
0xda: {  	[sflag:s21] =	ssyncset.done $0x0  }
0xdb: {  	[sflag:s21] =	ssyncadd.s32 $0xFFFFC000  }
0xdc: {  	[tilespmem:s20], [sflag:$0x1] =	stream.indirect.gather [hbm4b:s1+s25], $0x80, s12, s25, $0xb8;
	[tilespmem:$0x1CC00] =	vst v63  }
0xdd: {  	_ =	swait.ge [sflag:s2], $0x4000  }
0xde: {  	[sflag:s2] =	ssyncset.done $0x0  }
0xdf: {  	[sflag:s2] =	ssyncadd.s32 $0xFFFFC000  }
0xe0: {  	[spmem:s3] =	stream.indirect.scatter.add.f32 [tilespmem:s30], [sflag:$0x5], $0x80, s13, s25, $0xb8;
	[tilespmem:$0x1CC00] =	vst v63  }
0xe1: {  	_ =	swait.ge [sflag:s21], $0x4000  }
0xe2: {  	[sflag:s21] =	ssyncset.done $0x0  }
0xe3: {  	[sflag:s21] =	ssyncadd.s32 $0xFFFFC000  }
0xe4: {  	[tilespmem:s30], [sflag:$0x2] =	stream.indirect.gather [hbm4b:s1+s25], $0x80, s14, s25, $0xb8;
	[tilespmem:$0x1CC00] =	vst v63  }
0xe5: {  	_ =	swait.ge [sflag:s31], $0x4000  }
0xe6: {  	[sflag:s31] =	ssyncset.done $0x0  }
0xe7: {  	[sflag:s31] =	ssyncadd.s32 $0xFFFFC000  }
0xe8: {  	[spmem:s3] =	stream.indirect.scatter.add.f32 [tilespmem:s20], [sflag:$0x5], $0x80, s15, s25, $0xb8;
	[tilespmem:$0x1CC00] =	vst v63  }
0xe9: {  	_ =	swait.ge [sflag:s21], $0x4000  }
0xea: {  	[sflag:s21] =	ssyncset.done $0x0  }
0xeb: {  	[sflag:s21] =	ssyncadd.s32 $0xFFFFC000  }
0xec: {  	_ =	swait.ge [sflag:s2], $0x4000  }
0xed: {  	[sflag:s2] =	ssyncset.done $0x0  }
.Ltmp3:
0xee: {  	[sflag:s2] =	ssyncadd.s32 $0xFFFFC000;
	(pc) =	sbr.rel @p0 .LBB2_6-.Ltmp3, $4  }
0xef: {  	[spmem:s3] =	stream.indirect.scatter.add.f32 [tilespmem:s30], [sflag:$0x5], $0x80, s22, s25, $0xb8;
	[tilespmem:$0x1CC00] =	vst v63  }
0xf0: {  	_ =	swait.ge [sflag:s21], $0x4000  }
0xf1: {  	[sflag:s21] =	ssyncset.done $0x0  }
0xf2: {  	[sflag:s21] =	ssyncadd.s32 $0xFFFFC000  }
.Ltmp4:
0xf3: {  	(pc) =	sbr.rel .LBB2_4-.Ltmp4, $4  }
0xf4: {  	s0 =	sadd.s32 s5, s17  }
0xf5: {  	[tilespmem:s26], [sflag:$0x4] =	stream.linear.gather [hbm4b:s0+s4], $0x400, $0x38;
	[tilespmem:$0x1CC00] =	vst v63  }
0xf6: {  	s29 =	sadd.s32 s5, s16;
	s5 =	sadd.s32 $0x100, s5  }
0xf7: {  	[tilespmem:s28], [sflag:$0x4] =	stream.linear.gather [hbm4b:s29+s4], $0x400, $0x38;
	[tilespmem:$0x1CC00] =	vst v63  }
.LBB2_7:
0xf8: {  	_ =	sfence.sel $0x180000  }
0xf9: {  	[bflag:$0x0] =	sbarrier.arrive $0xFFFF  }
0xfa: {  	_ =	strace $0x90000047  }
0xfb: {  	s0 =	stileid.u32;
	[bflag:$0x2] =	sbarrier.arrive $0xFFFF  }
0xfc: {  	p0 =	sne.s32 s0, $0x0;
	s0 =	rddreg [dreg:$0x5]  }
0xfd: {  	s0 =	sadd.s32 @!p0 $0x100000, s0  }
0xfe: {  	[sflag:s0] =	ssyncadd.tile.s32 @!p0 $0x1;
	_ =	shalt  }
.Lfunc_end2:
_tile_overlayer_lowered:
.L_overlay_start_2:
0xff: {  	(tag) =	ssettag $0x2  }
0x100: {  	s0 =	rddreg [dreg:$0x0];
	s2 =	stileid.u32  }
0x101: {  	s1 =	rddreg [dreg:$0x1];
	p0 =	sne.s32 s2, $0x0  }
0x102: {  	s3 =	rddreg [dreg:$0x2];
	[bflag:$0x3] =	sbarrier.arrive $0xFFFF;
	s2 =	simm.s32 @!p0 $0x1C05  }
0x103: {  	[timem:s3], [sflag:s2] =	dma.local @!p0 [hbm:s0], s1  }
0x104: {  	s0 =	simm.s32 @!p0 $0x5  }
0x105: {  	_ =	swait.ge @!p0 [sflag:s0], s1  }
0x106: {  	s1 =	ssub.s32 @!p0 $0x0, s1;
	[sflag:s0] =	ssyncset.done @!p0 $0x0  }
0x107: {  	[sflag:s0] =	ssyncadd.s32 @!p0 s1  }
0x108: {  	[bflag:$0x3] =	sbarrier.arrive $0xFFFF  }
0x109: {  	_ =	shalt  }

</sc_bundles>
